<compile_context>
chip_gen: v7x
topology: tpu7x:2x2x1
jax: 0.10.2.dev20260603
libtpu: 0.0.44.dev20260713+nightly
codegen_flags: <defaults>
</compile_context>

<pallas_src>
import functools

import jax
import jax.numpy as jnp
from jax import lax
from jax.experimental import pallas as pl
from jax.experimental.pallas import tpu as pltpu
from jax.experimental.pallas import tpu_sc as plsc

_NC = 2
_NS = 16
_NW = _NC * _NS

_D = 64
_B = 16384 * 50
_BPW = _B // _NW
_CHUNK = 320
_NB = 4
_NCHUNK = _BPW // _CHUNK
_NG = _NCHUNK // _NB


def _emb_body(idx_hbm, table_hbm, out_hbm, idx_v, rows_v, *sems):
    sem_g = sems[:_NB]
    sem_o = sems[_NB:]
    wid = lax.axis_index("s") * _NC + lax.axis_index("c")
    base = wid * _BPW
    pltpu.sync_copy(idx_hbm.at[pl.ds(base, _BPW)], idx_v)

    def issue_gather(i, b):
        pltpu.async_copy(
            table_hbm.at[idx_v.at[pl.ds(i * _CHUNK, _CHUNK)]],
            rows_v.at[b], sem_g[b])

    def wait_gather(b):
        pltpu.make_async_copy(
            table_hbm.at[idx_v.at[pl.ds(0, _CHUNK)]],
            rows_v.at[b], sem_g[b]).wait()

    def out_dst(i):
        return out_hbm.at[pl.ds(base + i * _CHUNK, _CHUNK)]

    def wait_store(b):
        pltpu.make_async_copy(rows_v.at[b], out_dst(0), sem_o[b]).wait()

    for b in range(_NB):
        issue_gather(b, b)

    def group(g):
        for b in range(_NB):
            i = g * _NB + b
            wait_gather(b)
            pltpu.async_copy(rows_v.at[b], out_dst(i), sem_o[b])

            @pl.when(g < _NG - 1)
            def _():
                wait_store(b)
                issue_gather(i + _NB, b)

    pl.loop(0, _NG)(group)
    for b in range(_NB):
        wait_store(b)


@jax.jit
def _emb(idx, table):
    mesh = plsc.VectorSubcoreMesh(core_axis_name="c", subcore_axis_name="s")
    kern = functools.partial(
        pl.kernel,
        out_type=jax.ShapeDtypeStruct((_B, _D), jnp.float32),
        mesh=mesh,
        scratch_types=[
            pltpu.VMEM((_BPW,), jnp.int32),
            pltpu.VMEM((_NB, _CHUNK, _D), jnp.float32),
        ] + [pltpu.SemaphoreType.DMA] * (2 * _NB),
        compiler_params=pltpu.CompilerParams(use_tc_tiling_on_sc=False),
    )(_emb_body)
    return kern(idx, table)


def kernel(x, weight):
    idx = x.reshape(_B).astype(jnp.int32)
    out = _emb(idx, weight)
    return out.reshape(x.shape[0], x.shape[1], _D)

# --- scband reference (transcript-rebuilt; emitter-appended) ---
"""Pipeline reference for scband-vocab-parallel-embedding-5111011082768 (READ-ONLY COPY).

The authoritative reference and input builder live on the scoring server;
editing this copy changes nothing except your own understanding.
"""

import jax, jax.numpy as jnp
import numpy as np

NUM_EMBEDDINGS = 1000000
EMBEDDING_DIM = 64
PADDING_SIZE = 64
NUM_EMBEDDINGS_PADDED = (NUM_EMBEDDINGS + PADDING_SIZE - 1) // PADDING_SIZE * PADDING_SIZE  # 1000000


def setup_inputs(seed: int = 0) -> dict:
    key = jax.random.key(seed)
    k1, k2 = jax.random.split(key)
    x = jax.random.randint(k1, (16384, 50), 0, NUM_EMBEDDINGS, dtype=jnp.int64 if jax.config.jax_enable_x64 else jnp.int32)
    weight = jax.random.normal(k2, (NUM_EMBEDDINGS_PADDED, EMBEDDING_DIM), dtype=jnp.float32) * 0.02
    return {"x": x, "weight": weight}


def reference(x, weight):
    # tp_size == 1 path: plain embedding lookup (F.embedding)
    output = jnp.take(weight, x, axis=0)
    return output

if __name__ == "__main__":
    import jax
    _d = setup_inputs()
    print(jax.jit(kernel)(*tuple(_d.values())))

</pallas_src>

<mosaic_0001>
#map = affine_map<(d0, d1) -> (0)>
#map1 = affine_map<(d0, d1) -> (0, 0)>
module attributes {stable_mosaic.version = 14 : i64} {
  func.func @_emb_body(%arg0: i32, %arg1: i32, %arg2: memref<819200xi32, #tpu.memory_space<hbm>>, %arg3: memref<1000000x64xf32, #tpu.memory_space<hbm>>, %arg4: memref<819200x64xf32, #tpu.memory_space<hbm>>, %arg5: memref<25600xi32, #tpu.memory_space<vmem>>, %arg6: memref<4x320x64xf32, #tpu.memory_space<vmem>>, %arg7: memref<!tpu.dma_semaphore, #tpu.memory_space<semaphore_mem>>, %arg8: memref<!tpu.dma_semaphore, #tpu.memory_space<semaphore_mem>>, %arg9: memref<!tpu.dma_semaphore, #tpu.memory_space<semaphore_mem>>, %arg10: memref<!tpu.dma_semaphore, #tpu.memory_space<semaphore_mem>>, %arg11: memref<!tpu.dma_semaphore, #tpu.memory_space<semaphore_mem>>, %arg12: memref<!tpu.dma_semaphore, #tpu.memory_space<semaphore_mem>>, %arg13: memref<!tpu.dma_semaphore, #tpu.memory_space<semaphore_mem>>, %arg14: memref<!tpu.dma_semaphore, #tpu.memory_space<semaphore_mem>>) attributes {dimension_semantics = [#tpu.dimension_semantics<core_parallel>, #tpu.dimension_semantics<subcore_parallel>], iteration_bounds = array<i64: 2, 16>, scalar_prefetch = 0 : i64, scratch_operands = 10 : i64, tpu.core_type = #tpu.core_type<sc_vector_subcore>, window_params = [{transform_indices = #map}, {transform_indices = #map1}, {transform_indices = #map1}]} {
    %mul3A = arith.constant 2 : i32
    %mul3A_0 = arith.muli %arg1, %mul3A : i32
    %add3A = arith.addi %mul3A_0, %arg0 : i32
    %mul3A_1 = arith.constant 25600 : i32
    %mul3A_2 = arith.muli %add3A, %mul3A_1 : i32
    "tpu.region"() ({
      %run_scoped3A = tpu.sem_alloc : memref<!tpu.dma_semaphore, #tpu.memory_space<semaphore_mem>>
      %dma_start3A_105 = tpu.memref_slice %arg2[%mul3A_2] : memref<819200xi32, #tpu.memory_space<hbm>> -> memref<25600xi32, #tpu.memory_space<hbm>>
      %dma_start3A_106 = tpu.memref_slice %arg2[%mul3A_2] : memref<819200xi32, #tpu.memory_space<hbm>> -> memref<25600xi32, #tpu.memory_space<hbm>>
      tpu.enqueue_dma source(%dma_start3A_106 : memref<25600xi32, #tpu.memory_space<hbm>>) target(%arg5 : memref<25600xi32, #tpu.memory_space<vmem>>) target_semaphore(%run_scoped3A : memref<!tpu.dma_semaphore, #tpu.memory_space<semaphore_mem>>)
      %dma_wait3A_107 = tpu.memref_slice %arg2[%mul3A_2] : memref<819200xi32, #tpu.memory_space<hbm>> -> memref<25600xi32, #tpu.memory_space<hbm>>
      %dma_wait3A_108 = tpu.memref_slice %arg2[%mul3A_2] : memref<819200xi32, #tpu.memory_space<hbm>> -> memref<25600xi32, #tpu.memory_space<hbm>>
      tpu.wait_dma2 semaphore(%run_scoped3A : memref<!tpu.dma_semaphore, #tpu.memory_space<semaphore_mem>>) src(%dma_wait3A_108 : memref<25600xi32, #tpu.memory_space<hbm>>) dst(%arg5 : memref<25600xi32, #tpu.memory_space<vmem>>)
      tpu.yield
    }) : () -> ()
    %dma_start3A = arith.constant 0 : i32
    %dma_start3A_3 = arith.constant 0 : i32
    %dma_start3A_4 = arith.constant 0 : i32
    %dma_start3A_5 = tpu.memref_slice %arg6[%dma_start3A, %dma_start3A_3, %dma_start3A_4] : memref<4x320x64xf32, #tpu.memory_space<vmem>> -> memref<1x320x64xf32, #tpu.memory_space<vmem>>
    %dma_start3A_6 = tpu.memref_squeeze %dma_start3A_5 : memref<1x320x64xf32, #tpu.memory_space<vmem>> -> memref<320x64xf32, #tpu.memory_space<vmem>>
    %dma_start3A_7 = arith.constant 0 : i32
    %dma_start3A_8 = tpu.memref_slice %arg5[%dma_start3A_7] : memref<25600xi32, #tpu.memory_space<vmem>> -> memref<320xi32, #tpu.memory_space<vmem>>
    %dma_start3A_9 = arith.constant 0 : i32
    %dma_start3A_10 = arith.constant 0 : i32
    %dma_start3A_11 = tpu.memref_slice %arg3[%dma_start3A_9, %dma_start3A_10] : memref<1000000x64xf32, #tpu.memory_space<hbm>> -> memref<1000000x64xf32, #tpu.memory_space<hbm>>
    tpu.enqueue_indirect_dma source(%dma_start3A_11 : memref<1000000x64xf32, #tpu.memory_space<hbm>>) target(%dma_start3A_6 : memref<320x64xf32, #tpu.memory_space<vmem>>) offsets(%dma_start3A_8 : memref<320xi32, #tpu.memory_space<vmem>>) semaphore(%arg7 : memref<!tpu.dma_semaphore, #tpu.memory_space<semaphore_mem>>)
    %dma_start3A_12 = arith.constant 1 : i32
    %dma_start3A_13 = arith.constant 0 : i32
    %dma_start3A_14 = arith.constant 0 : i32
    %dma_start3A_15 = tpu.memref_slice %arg6[%dma_start3A_12, %dma_start3A_13, %dma_start3A_14] : memref<4x320x64xf32, #tpu.memory_space<vmem>> -> memref<1x320x64xf32, #tpu.memory_space<vmem>>
    %dma_start3A_16 = tpu.memref_squeeze %dma_start3A_15 : memref<1x320x64xf32, #tpu.memory_space<vmem>> -> memref<320x64xf32, #tpu.memory_space<vmem>>
    %dma_start3A_17 = arith.constant 320 : i32
    %dma_start3A_18 = tpu.memref_slice %arg5[%dma_start3A_17] : memref<25600xi32, #tpu.memory_space<vmem>> -> memref<320xi32, #tpu.memory_space<vmem>>
    %dma_start3A_19 = arith.constant 0 : i32
    %dma_start3A_20 = arith.constant 0 : i32
    %dma_start3A_21 = tpu.memref_slice %arg3[%dma_start3A_19, %dma_start3A_20] : memref<1000000x64xf32, #tpu.memory_space<hbm>> -> memref<1000000x64xf32, #tpu.memory_space<hbm>>
    tpu.enqueue_indirect_dma source(%dma_start3A_21 : memref<1000000x64xf32, #tpu.memory_space<hbm>>) target(%dma_start3A_16 : memref<320x64xf32, #tpu.memory_space<vmem>>) offsets(%dma_start3A_18 : memref<320xi32, #tpu.memory_space<vmem>>) semaphore(%arg8 : memref<!tpu.dma_semaphore, #tpu.memory_space<semaphore_mem>>)
    %dma_start3A_22 = arith.constant 2 : i32
    %dma_start3A_23 = arith.constant 0 : i32
    %dma_start3A_24 = arith.constant 0 : i32
    %dma_start3A_25 = tpu.memref_slice %arg6[%dma_start3A_22, %dma_start3A_23, %dma_start3A_24] : memref<4x320x64xf32, #tpu.memory_space<vmem>> -> memref<1x320x64xf32, #tpu.memory_space<vmem>>
    %dma_start3A_26 = tpu.memref_squeeze %dma_start3A_25 : memref<1x320x64xf32, #tpu.memory_space<vmem>> -> memref<320x64xf32, #tpu.memory_space<vmem>>
    %dma_start3A_27 = arith.constant 640 : i32
    %dma_start3A_28 = tpu.memref_slice %arg5[%dma_start3A_27] : memref<25600xi32, #tpu.memory_space<vmem>> -> memref<320xi32, #tpu.memory_space<vmem>>
    %dma_start3A_29 = arith.constant 0 : i32
    %dma_start3A_30 = arith.constant 0 : i32
    %dma_start3A_31 = tpu.memref_slice %arg3[%dma_start3A_29, %dma_start3A_30] : memref<1000000x64xf32, #tpu.memory_space<hbm>> -> memref<1000000x64xf32, #tpu.memory_space<hbm>>
    tpu.enqueue_indirect_dma source(%dma_start3A_31 : memref<1000000x64xf32, #tpu.memory_space<hbm>>) target(%dma_start3A_26 : memref<320x64xf32, #tpu.memory_space<vmem>>) offsets(%dma_start3A_28 : memref<320xi32, #tpu.memory_space<vmem>>) semaphore(%arg9 : memref<!tpu.dma_semaphore, #tpu.memory_space<semaphore_mem>>)
    %dma_start3A_32 = arith.constant 3 : i32
    %dma_start3A_33 = arith.constant 0 : i32
    %dma_start3A_34 = arith.constant 0 : i32
    %dma_start3A_35 = tpu.memref_slice %arg6[%dma_start3A_32, %dma_start3A_33, %dma_start3A_34] : memref<4x320x64xf32, #tpu.memory_space<vmem>> -> memref<1x320x64xf32, #tpu.memory_space<vmem>>
    %dma_start3A_36 = tpu.memref_squeeze %dma_start3A_35 : memref<1x320x64xf32, #tpu.memory_space<vmem>> -> memref<320x64xf32, #tpu.memory_space<vmem>>
    %dma_start3A_37 = arith.constant 960 : i32
    %dma_start3A_38 = tpu.memref_slice %arg5[%dma_start3A_37] : memref<25600xi32, #tpu.memory_space<vmem>> -> memref<320xi32, #tpu.memory_space<vmem>>
    %dma_start3A_39 = arith.constant 0 : i32
    %dma_start3A_40 = arith.constant 0 : i32
    %dma_start3A_41 = tpu.memref_slice %arg3[%dma_start3A_39, %dma_start3A_40] : memref<1000000x64xf32, #tpu.memory_space<hbm>> -> memref<1000000x64xf32, #tpu.memory_space<hbm>>
    tpu.enqueue_indirect_dma source(%dma_start3A_41 : memref<1000000x64xf32, #tpu.memory_space<hbm>>) target(%dma_start3A_36 : memref<320x64xf32, #tpu.memory_space<vmem>>) offsets(%dma_start3A_38 : memref<320xi32, #tpu.memory_space<vmem>>) semaphore(%arg10 : memref<!tpu.dma_semaphore, #tpu.memory_space<semaphore_mem>>)
    %scan3A = arith.constant 0 : i32
    %scan3A_42 = arith.constant 20 : i32
    %scan3A_43 = arith.addi %scan3A, %scan3A_42 : i32
    %scan3A_44 = arith.constant 1 : i32
    scf.for %scan3A_105 = %scan3A to %scan3A_43 step %scan3A_44  : i32 {
      %mul3A_106 = arith.constant 1 : i32
      %mul3A_107 = arith.muli %scan3A_105, %mul3A_106 : i32
      %add3A_108 = arith.constant 0 : i32
      %add3A_109 = arith.addi %add3A_108, %mul3A_107 : i32
      %mul3A_110 = arith.constant 4 : i32
      %mul3A_111 = arith.muli %add3A_109, %mul3A_110 : i32
      %add3A_112 = arith.constant 0 : i32
      %add3A_113 = arith.addi %mul3A_111, %add3A_112 : i32
      %dma_wait3A_114 = arith.constant 0 : i32
      %dma_wait3A_115 = arith.constant 0 : i32
      %dma_wait3A_116 = arith.constant 0 : i32
      %dma_wait3A_117 = tpu.memref_slice %arg6[%dma_wait3A_114, %dma_wait3A_115, %dma_wait3A_116] : memref<4x320x64xf32, #tpu.memory_space<vmem>> -> memref<1x320x64xf32, #tpu.memory_space<vmem>>
      %dma_wait3A_118 = tpu.memref_squeeze %dma_wait3A_117 : memref<1x320x64xf32, #tpu.memory_space<vmem>> -> memref<320x64xf32, #tpu.memory_space<vmem>>
      %dma_wait3A_119 = arith.constant 0 : i32
      %dma_wait3A_120 = tpu.memref_slice %arg5[%dma_wait3A_119] : memref<25600xi32, #tpu.memory_space<vmem>> -> memref<320xi32, #tpu.memory_space<vmem>>
      %dma_wait3A_121 = arith.constant 0 : i32
      %dma_wait3A_122 = arith.constant 0 : i32
      %dma_wait3A_123 = tpu.memref_slice %arg3[%dma_wait3A_121, %dma_wait3A_122] : memref<1000000x64xf32, #tpu.memory_space<hbm>> -> memref<1000000x64xf32, #tpu.memory_space<hbm>>
      tpu.wait_indirect_dma semaphore(%arg7 : memref<!tpu.dma_semaphore, #tpu.memory_space<semaphore_mem>>) src(%dma_wait3A_123 : memref<1000000x64xf32, #tpu.memory_space<hbm>>) dst(%dma_wait3A_118 : memref<320x64xf32, #tpu.memory_space<vmem>>)
      %mul3A_124 = arith.constant 320 : i32
      %mul3A_125 = arith.muli %add3A_113, %mul3A_124 : i32
      %add3A_126 = arith.addi %mul3A_2, %mul3A_125 : i32
      %dma_start3A_127 = arith.constant 0 : i32
      %dma_start3A_128 = arith.constant 0 : i32
      %dma_start3A_129 = arith.constant 0 : i32
      %dma_start3A_130 = tpu.memref_slice %arg6[%dma_start3A_127, %dma_start3A_128, %dma_start3A_129] : memref<4x320x64xf32, #tpu.memory_space<vmem>> -> memref<1x320x64xf32, #tpu.memory_space<vmem>>
      %dma_start3A_131 = tpu.memref_squeeze %dma_start3A_130 : memref<1x320x64xf32, #tpu.memory_space<vmem>> -> memref<320x64xf32, #tpu.memory_space<vmem>>
      %dma_start3A_132 = arith.constant 0 : i32
      %dma_start3A_133 = tpu.memref_slice %arg4[%add3A_126, %dma_start3A_132] : memref<819200x64xf32, #tpu.memory_space<hbm>> -> memref<320x64xf32, #tpu.memory_space<hbm>>
      %dma_start3A_134 = arith.constant 0 : i32
      %dma_start3A_135 = tpu.memref_slice %arg4[%add3A_126, %dma_start3A_134] : memref<819200x64xf32, #tpu.memory_space<hbm>> -> memref<320x64xf32, #tpu.memory_space<hbm>>
      %dma_start3A_136 = arith.constant 0 : i32
      %dma_start3A_137 = arith.constant 0 : i32
      %dma_start3A_138 = tpu.memref_slice %arg6[%dma_start3A_127, %dma_start3A_136, %dma_start3A_137] : memref<4x320x64xf32, #tpu.memory_space<vmem>> -> memref<1x320x64xf32, #tpu.memory_space<vmem>>
      %dma_start3A_139 = tpu.memref_squeeze %dma_start3A_138 : memref<1x320x64xf32, #tpu.memory_space<vmem>> -> memref<320x64xf32, #tpu.memory_space<vmem>>
      tpu.enqueue_dma source(%dma_start3A_139 : memref<320x64xf32, #tpu.memory_space<vmem>>) target(%dma_start3A_135 : memref<320x64xf32, #tpu.memory_space<hbm>>) target_semaphore(%arg11 : memref<!tpu.dma_semaphore, #tpu.memory_space<semaphore_mem>>)
      %lt3A = arith.constant 19 : i32
      %lt3A_140 = arith.cmpi slt, %add3A_109, %lt3A : i32
      %convert_element_type3A = arith.extui %lt3A_140 : i1 to i32
      %cond3A = arith.constant 0 : i32
      %cond3A_141 = arith.cmpi ne, %convert_element_type3A, %cond3A : i32
      scf.if %cond3A_141 {
        %add3A_247 = arith.constant 0 : i32
        %add3A_248 = arith.addi %mul3A_2, %add3A_247 : i32
        %dma_wait3A_249 = arith.constant 0 : i32
        %dma_wait3A_250 = arith.constant 0 : i32
        %dma_wait3A_251 = arith.constant 0 : i32
        %dma_wait3A_252 = tpu.memref_slice %arg6[%dma_wait3A_249, %dma_wait3A_250, %dma_wait3A_251] : memref<4x320x64xf32, #tpu.memory_space<vmem>> -> memref<1x320x64xf32, #tpu.memory_space<vmem>>
        %dma_wait3A_253 = tpu.memref_squeeze %dma_wait3A_252 : memref<1x320x64xf32, #tpu.memory_space<vmem>> -> memref<320x64xf32, #tpu.memory_space<vmem>>
        %dma_wait3A_254 = arith.constant 0 : i32
        %dma_wait3A_255 = tpu.memref_slice %arg4[%add3A_248, %dma_wait3A_254] : memref<819200x64xf32, #tpu.memory_space<hbm>> -> memref<320x64xf32, #tpu.memory_space<hbm>>
        %dma_wait3A_256 = arith.constant 0 : i32
        %dma_wait3A_257 = tpu.memref_slice %arg4[%add3A_248, %dma_wait3A_256] : memref<819200x64xf32, #tpu.memory_space<hbm>> -> memref<320x64xf32, #tpu.memory_space<hbm>>
        %dma_wait3A_258 = arith.constant 0 : i32
        %dma_wait3A_259 = arith.constant 0 : i32
        %dma_wait3A_260 = tpu.memref_slice %arg6[%dma_wait3A_249, %dma_wait3A_258, %dma_wait3A_259] : memref<4x320x64xf32, #tpu.memory_space<vmem>> -> memref<1x320x64xf32, #tpu.memory_space<vmem>>
        %dma_wait3A_261 = tpu.memref_squeeze %dma_wait3A_260 : memref<1x320x64xf32, #tpu.memory_space<vmem>> -> memref<320x64xf32, #tpu.memory_space<vmem>>
        tpu.wait_dma2 semaphore(%arg11 : memref<!tpu.dma_semaphore, #tpu.memory_space<semaphore_mem>>) src(%dma_wait3A_261 : memref<320x64xf32, #tpu.memory_space<vmem>>) dst(%dma_wait3A_257 : memref<320x64xf32, #tpu.memory_space<hbm>>)
        %add3A_262 = arith.constant 4 : i32
        %add3A_263 = arith.addi %add3A_113, %add3A_262 : i32
        %mul3A_264 = arith.constant 320 : i32
        %mul3A_265 = arith.muli %add3A_263, %mul3A_264 : i32
        %dma_start3A_266 = arith.constant 0 : i32
        %dma_start3A_267 = arith.constant 0 : i32
        %dma_start3A_268 = arith.constant 0 : i32
        %dma_start3A_269 = tpu.memref_slice %arg6[%dma_start3A_266, %dma_start3A_267, %dma_start3A_268] : memref<4x320x64xf32, #tpu.memory_space<vmem>> -> memref<1x320x64xf32, #tpu.memory_space<vmem>>
        %dma_start3A_270 = tpu.memref_squeeze %dma_start3A_269 : memref<1x320x64xf32, #tpu.memory_space<vmem>> -> memref<320x64xf32, #tpu.memory_space<vmem>>
        %dma_start3A_271 = tpu.memref_slice %arg5[%mul3A_265] : memref<25600xi32, #tpu.memory_space<vmem>> -> memref<320xi32, #tpu.memory_space<vmem>>
        %dma_start3A_272 = arith.constant 0 : i32
        %dma_start3A_273 = arith.constant 0 : i32
        %dma_start3A_274 = tpu.memref_slice %arg3[%dma_start3A_272, %dma_start3A_273] : memref<1000000x64xf32, #tpu.memory_space<hbm>> -> memref<1000000x64xf32, #tpu.memory_space<hbm>>
        tpu.enqueue_indirect_dma source(%dma_start3A_274 : memref<1000000x64xf32, #tpu.memory_space<hbm>>) target(%dma_start3A_270 : memref<320x64xf32, #tpu.memory_space<vmem>>) offsets(%dma_start3A_271 : memref<320xi32, #tpu.memory_space<vmem>>) semaphore(%arg7 : memref<!tpu.dma_semaphore, #tpu.memory_space<semaphore_mem>>)
      } else {
      }
      %mul3A_142 = arith.constant 4 : i32
      %mul3A_143 = arith.muli %add3A_109, %mul3A_142 : i32
      %add3A_144 = arith.constant 1 : i32
      %add3A_145 = arith.addi %mul3A_143, %add3A_144 : i32
      %dma_wait3A_146 = arith.constant 1 : i32
      %dma_wait3A_147 = arith.constant 0 : i32
      %dma_wait3A_148 = arith.constant 0 : i32
      %dma_wait3A_149 = tpu.memref_slice %arg6[%dma_wait3A_146, %dma_wait3A_147, %dma_wait3A_148] : memref<4x320x64xf32, #tpu.memory_space<vmem>> -> memref<1x320x64xf32, #tpu.memory_space<vmem>>
      %dma_wait3A_150 = tpu.memref_squeeze %dma_wait3A_149 : memref<1x320x64xf32, #tpu.memory_space<vmem>> -> memref<320x64xf32, #tpu.memory_space<vmem>>
      %dma_wait3A_151 = arith.constant 0 : i32
      %dma_wait3A_152 = tpu.memref_slice %arg5[%dma_wait3A_151] : memref<25600xi32, #tpu.memory_space<vmem>> -> memref<320xi32, #tpu.memory_space<vmem>>
      %dma_wait3A_153 = arith.constant 0 : i32
      %dma_wait3A_154 = arith.constant 0 : i32
      %dma_wait3A_155 = tpu.memref_slice %arg3[%dma_wait3A_153, %dma_wait3A_154] : memref<1000000x64xf32, #tpu.memory_space<hbm>> -> memref<1000000x64xf32, #tpu.memory_space<hbm>>
      tpu.wait_indirect_dma semaphore(%arg8 : memref<!tpu.dma_semaphore, #tpu.memory_space<semaphore_mem>>) src(%dma_wait3A_155 : memref<1000000x64xf32, #tpu.memory_space<hbm>>) dst(%dma_wait3A_150 : memref<320x64xf32, #tpu.memory_space<vmem>>)
      %mul3A_156 = arith.constant 320 : i32
      %mul3A_157 = arith.muli %add3A_145, %mul3A_156 : i32
      %add3A_158 = arith.addi %mul3A_2, %mul3A_157 : i32
      %dma_start3A_159 = arith.constant 1 : i32
      %dma_start3A_160 = arith.constant 0 : i32
      %dma_start3A_161 = arith.constant 0 : i32
      %dma_start3A_162 = tpu.memref_slice %arg6[%dma_start3A_159, %dma_start3A_160, %dma_start3A_161] : memref<4x320x64xf32, #tpu.memory_space<vmem>> -> memref<1x320x64xf32, #tpu.memory_space<vmem>>
      %dma_start3A_163 = tpu.memref_squeeze %dma_start3A_162 : memref<1x320x64xf32, #tpu.memory_space<vmem>> -> memref<320x64xf32, #tpu.memory_space<vmem>>
      %dma_start3A_164 = arith.constant 0 : i32
      %dma_start3A_165 = tpu.memref_slice %arg4[%add3A_158, %dma_start3A_164] : memref<819200x64xf32, #tpu.memory_space<hbm>> -> memref<320x64xf32, #tpu.memory_space<hbm>>
      %dma_start3A_166 = arith.constant 0 : i32
      %dma_start3A_167 = tpu.memref_slice %arg4[%add3A_158, %dma_start3A_166] : memref<819200x64xf32, #tpu.memory_space<hbm>> -> memref<320x64xf32, #tpu.memory_space<hbm>>
      %dma_start3A_168 = arith.constant 0 : i32
      %dma_start3A_169 = arith.constant 0 : i32
      %dma_start3A_170 = tpu.memref_slice %arg6[%dma_start3A_159, %dma_start3A_168, %dma_start3A_169] : memref<4x320x64xf32, #tpu.memory_space<vmem>> -> memref<1x320x64xf32, #tpu.memory_space<vmem>>
      %dma_start3A_171 = tpu.memref_squeeze %dma_start3A_170 : memref<1x320x64xf32, #tpu.memory_space<vmem>> -> memref<320x64xf32, #tpu.memory_space<vmem>>
      tpu.enqueue_dma source(%dma_start3A_171 : memref<320x64xf32, #tpu.memory_space<vmem>>) target(%dma_start3A_167 : memref<320x64xf32, #tpu.memory_space<hbm>>) target_semaphore(%arg12 : memref<!tpu.dma_semaphore, #tpu.memory_space<semaphore_mem>>)
      %lt3A_172 = arith.constant 19 : i32
      %lt3A_173 = arith.cmpi slt, %add3A_109, %lt3A_172 : i32
      %convert_element_type3A_174 = arith.extui %lt3A_173 : i1 to i32
      %cond3A_175 = arith.constant 0 : i32
      %cond3A_176 = arith.cmpi ne, %convert_element_type3A_174, %cond3A_175 : i32
      scf.if %cond3A_176 {
        %add3A_247 = arith.constant 0 : i32
        %add3A_248 = arith.addi %mul3A_2, %add3A_247 : i32
        %dma_wait3A_249 = arith.constant 1 : i32
        %dma_wait3A_250 = arith.constant 0 : i32
        %dma_wait3A_251 = arith.constant 0 : i32
        %dma_wait3A_252 = tpu.memref_slice %arg6[%dma_wait3A_249, %dma_wait3A_250, %dma_wait3A_251] : memref<4x320x64xf32, #tpu.memory_space<vmem>> -> memref<1x320x64xf32, #tpu.memory_space<vmem>>
        %dma_wait3A_253 = tpu.memref_squeeze %dma_wait3A_252 : memref<1x320x64xf32, #tpu.memory_space<vmem>> -> memref<320x64xf32, #tpu.memory_space<vmem>>
        %dma_wait3A_254 = arith.constant 0 : i32
        %dma_wait3A_255 = tpu.memref_slice %arg4[%add3A_248, %dma_wait3A_254] : memref<819200x64xf32, #tpu.memory_space<hbm>> -> memref<320x64xf32, #tpu.memory_space<hbm>>
        %dma_wait3A_256 = arith.constant 0 : i32
        %dma_wait3A_257 = tpu.memref_slice %arg4[%add3A_248, %dma_wait3A_256] : memref<819200x64xf32, #tpu.memory_space<hbm>> -> memref<320x64xf32, #tpu.memory_space<hbm>>
        %dma_wait3A_258 = arith.constant 0 : i32
        %dma_wait3A_259 = arith.constant 0 : i32
        %dma_wait3A_260 = tpu.memref_slice %arg6[%dma_wait3A_249, %dma_wait3A_258, %dma_wait3A_259] : memref<4x320x64xf32, #tpu.memory_space<vmem>> -> memref<1x320x64xf32, #tpu.memory_space<vmem>>
        %dma_wait3A_261 = tpu.memref_squeeze %dma_wait3A_260 : memref<1x320x64xf32, #tpu.memory_space<vmem>> -> memref<320x64xf32, #tpu.memory_space<vmem>>
        tpu.wait_dma2 semaphore(%arg12 : memref<!tpu.dma_semaphore, #tpu.memory_space<semaphore_mem>>) src(%dma_wait3A_261 : memref<320x64xf32, #tpu.memory_space<vmem>>) dst(%dma_wait3A_257 : memref<320x64xf32, #tpu.memory_space<hbm>>)
        %add3A_262 = arith.constant 4 : i32
        %add3A_263 = arith.addi %add3A_145, %add3A_262 : i32
        %mul3A_264 = arith.constant 320 : i32
        %mul3A_265 = arith.muli %add3A_263, %mul3A_264 : i32
        %dma_start3A_266 = arith.constant 1 : i32
        %dma_start3A_267 = arith.constant 0 : i32
        %dma_start3A_268 = arith.constant 0 : i32
        %dma_start3A_269 = tpu.memref_slice %arg6[%dma_start3A_266, %dma_start3A_267, %dma_start3A_268] : memref<4x320x64xf32, #tpu.memory_space<vmem>> -> memref<1x320x64xf32, #tpu.memory_space<vmem>>
        %dma_start3A_270 = tpu.memref_squeeze %dma_start3A_269 : memref<1x320x64xf32, #tpu.memory_space<vmem>> -> memref<320x64xf32, #tpu.memory_space<vmem>>
        %dma_start3A_271 = tpu.memref_slice %arg5[%mul3A_265] : memref<25600xi32, #tpu.memory_space<vmem>> -> memref<320xi32, #tpu.memory_space<vmem>>
        %dma_start3A_272 = arith.constant 0 : i32
        %dma_start3A_273 = arith.constant 0 : i32
        %dma_start3A_274 = tpu.memref_slice %arg3[%dma_start3A_272, %dma_start3A_273] : memref<1000000x64xf32, #tpu.memory_space<hbm>> -> memref<1000000x64xf32, #tpu.memory_space<hbm>>
        tpu.enqueue_indirect_dma source(%dma_start3A_274 : memref<1000000x64xf32, #tpu.memory_space<hbm>>) target(%dma_start3A_270 : memref<320x64xf32, #tpu.memory_space<vmem>>) offsets(%dma_start3A_271 : memref<320xi32, #tpu.memory_space<vmem>>) semaphore(%arg8 : memref<!tpu.dma_semaphore, #tpu.memory_space<semaphore_mem>>)
      } else {
      }
      %mul3A_177 = arith.constant 4 : i32
      %mul3A_178 = arith.muli %add3A_109, %mul3A_177 : i32
      %add3A_179 = arith.constant 2 : i32
      %add3A_180 = arith.addi %mul3A_178, %add3A_179 : i32
      %dma_wait3A_181 = arith.constant 2 : i32
      %dma_wait3A_182 = arith.constant 0 : i32
      %dma_wait3A_183 = arith.constant 0 : i32
      %dma_wait3A_184 = tpu.memref_slice %arg6[%dma_wait3A_181, %dma_wait3A_182, %dma_wait3A_183] : memref<4x320x64xf32, #tpu.memory_space<vmem>> -> memref<1x320x64xf32, #tpu.memory_space<vmem>>
      %dma_wait3A_185 = tpu.memref_squeeze %dma_wait3A_184 : memref<1x320x64xf32, #tpu.memory_space<vmem>> -> memref<320x64xf32, #tpu.memory_space<vmem>>
      %dma_wait3A_186 = arith.constant 0 : i32
      %dma_wait3A_187 = tpu.memref_slice %arg5[%dma_wait3A_186] : memref<25600xi32, #tpu.memory_space<vmem>> -> memref<320xi32, #tpu.memory_space<vmem>>
      %dma_wait3A_188 = arith.constant 0 : i32
      %dma_wait3A_189 = arith.constant 0 : i32
      %dma_wait3A_190 = tpu.memref_slice %arg3[%dma_wait3A_188, %dma_wait3A_189] : memref<1000000x64xf32, #tpu.memory_space<hbm>> -> memref<1000000x64xf32, #tpu.memory_space<hbm>>
      tpu.wait_indirect_dma semaphore(%arg9 : memref<!tpu.dma_semaphore, #tpu.memory_space<semaphore_mem>>) src(%dma_wait3A_190 : memref<1000000x64xf32, #tpu.memory_space<hbm>>) dst(%dma_wait3A_185 : memref<320x64xf32, #tpu.memory_space<vmem>>)
      %mul3A_191 = arith.constant 320 : i32
      %mul3A_192 = arith.muli %add3A_180, %mul3A_191 : i32
      %add3A_193 = arith.addi %mul3A_2, %mul3A_192 : i32
      %dma_start3A_194 = arith.constant 2 : i32
      %dma_start3A_195 = arith.constant 0 : i32
      %dma_start3A_196 = arith.constant 0 : i32
      %dma_start3A_197 = tpu.memref_slice %arg6[%dma_start3A_194, %dma_start3A_195, %dma_start3A_196] : memref<4x320x64xf32, #tpu.memory_space<vmem>> -> memref<1x320x64xf32, #tpu.memory_space<vmem>>
      %dma_start3A_198 = tpu.memref_squeeze %dma_start3A_197 : memref<1x320x64xf32, #tpu.memory_space<vmem>> -> memref<320x64xf32, #tpu.memory_space<vmem>>
      %dma_start3A_199 = arith.constant 0 : i32
      %dma_start3A_200 = tpu.memref_slice %arg4[%add3A_193, %dma_start3A_199] : memref<819200x64xf32, #tpu.memory_space<hbm>> -> memref<320x64xf32, #tpu.memory_space<hbm>>
      %dma_start3A_201 = arith.constant 0 : i32
      %dma_start3A_202 = tpu.memref_slice %arg4[%add3A_193, %dma_start3A_201] : memref<819200x64xf32, #tpu.memory_space<hbm>> -> memref<320x64xf32, #tpu.memory_space<hbm>>
      %dma_start3A_203 = arith.constant 0 : i32
      %dma_start3A_204 = arith.constant 0 : i32
      %dma_start3A_205 = tpu.memref_slice %arg6[%dma_start3A_194, %dma_start3A_203, %dma_start3A_204] : memref<4x320x64xf32, #tpu.memory_space<vmem>> -> memref<1x320x64xf32, #tpu.memory_space<vmem>>
      %dma_start3A_206 = tpu.memref_squeeze %dma_start3A_205 : memref<1x320x64xf32, #tpu.memory_space<vmem>> -> memref<320x64xf32, #tpu.memory_space<vmem>>
      tpu.enqueue_dma source(%dma_start3A_206 : memref<320x64xf32, #tpu.memory_space<vmem>>) target(%dma_start3A_202 : memref<320x64xf32, #tpu.memory_space<hbm>>) target_semaphore(%arg13 : memref<!tpu.dma_semaphore, #tpu.memory_space<semaphore_mem>>)
      %lt3A_207 = arith.constant 19 : i32
      %lt3A_208 = arith.cmpi slt, %add3A_109, %lt3A_207 : i32
      %convert_element_type3A_209 = arith.extui %lt3A_208 : i1 to i32
      %cond3A_210 = arith.constant 0 : i32
      %cond3A_211 = arith.cmpi ne, %convert_element_type3A_209, %cond3A_210 : i32
      scf.if %cond3A_211 {
        %add3A_247 = arith.constant 0 : i32
        %add3A_248 = arith.addi %mul3A_2, %add3A_247 : i32
        %dma_wait3A_249 = arith.constant 2 : i32
        %dma_wait3A_250 = arith.constant 0 : i32
        %dma_wait3A_251 = arith.constant 0 : i32
        %dma_wait3A_252 = tpu.memref_slice %arg6[%dma_wait3A_249, %dma_wait3A_250, %dma_wait3A_251] : memref<4x320x64xf32, #tpu.memory_space<vmem>> -> memref<1x320x64xf32, #tpu.memory_space<vmem>>
        %dma_wait3A_253 = tpu.memref_squeeze %dma_wait3A_252 : memref<1x320x64xf32, #tpu.memory_space<vmem>> -> memref<320x64xf32, #tpu.memory_space<vmem>>
        %dma_wait3A_254 = arith.constant 0 : i32
        %dma_wait3A_255 = tpu.memref_slice %arg4[%add3A_248, %dma_wait3A_254] : memref<819200x64xf32, #tpu.memory_space<hbm>> -> memref<320x64xf32, #tpu.memory_space<hbm>>
        %dma_wait3A_256 = arith.constant 0 : i32
        %dma_wait3A_257 = tpu.memref_slice %arg4[%add3A_248, %dma_wait3A_256] : memref<819200x64xf32, #tpu.memory_space<hbm>> -> memref<320x64xf32, #tpu.memory_space<hbm>>
        %dma_wait3A_258 = arith.constant 0 : i32
        %dma_wait3A_259 = arith.constant 0 : i32
        %dma_wait3A_260 = tpu.memref_slice %arg6[%dma_wait3A_249, %dma_wait3A_258, %dma_wait3A_259] : memref<4x320x64xf32, #tpu.memory_space<vmem>> -> memref<1x320x64xf32, #tpu.memory_space<vmem>>
        %dma_wait3A_261 = tpu.memref_squeeze %dma_wait3A_260 : memref<1x320x64xf32, #tpu.memory_space<vmem>> -> memref<320x64xf32, #tpu.memory_space<vmem>>
        tpu.wait_dma2 semaphore(%arg13 : memref<!tpu.dma_semaphore, #tpu.memory_space<semaphore_mem>>) src(%dma_wait3A_261 : memref<320x64xf32, #tpu.memory_space<vmem>>) dst(%dma_wait3A_257 : memref<320x64xf32, #tpu.memory_space<hbm>>)
        %add3A_262 = arith.constant 4 : i32
        %add3A_263 = arith.addi %add3A_180, %add3A_262 : i32
        %mul3A_264 = arith.constant 320 : i32
        %mul3A_265 = arith.muli %add3A_263, %mul3A_264 : i32
        %dma_start3A_266 = arith.constant 2 : i32
        %dma_start3A_267 = arith.constant 0 : i32
        %dma_start3A_268 = arith.constant 0 : i32
        %dma_start3A_269 = tpu.memref_slice %arg6[%dma_start3A_266, %dma_start3A_267, %dma_start3A_268] : memref<4x320x64xf32, #tpu.memory_space<vmem>> -> memref<1x320x64xf32, #tpu.memory_space<vmem>>
        %dma_start3A_270 = tpu.memref_squeeze %dma_start3A_269 : memref<1x320x64xf32, #tpu.memory_space<vmem>> -> memref<320x64xf32, #tpu.memory_space<vmem>>
        %dma_start3A_271 = tpu.memref_slice %arg5[%mul3A_265] : memref<25600xi32, #tpu.memory_space<vmem>> -> memref<320xi32, #tpu.memory_space<vmem>>
        %dma_start3A_272 = arith.constant 0 : i32
        %dma_start3A_273 = arith.constant 0 : i32
        %dma_start3A_274 = tpu.memref_slice %arg3[%dma_start3A_272, %dma_start3A_273] : memref<1000000x64xf32, #tpu.memory_space<hbm>> -> memref<1000000x64xf32, #tpu.memory_space<hbm>>
        tpu.enqueue_indirect_dma source(%dma_start3A_274 : memref<1000000x64xf32, #tpu.memory_space<hbm>>) target(%dma_start3A_270 : memref<320x64xf32, #tpu.memory_space<vmem>>) offsets(%dma_start3A_271 : memref<320xi32, #tpu.memory_space<vmem>>) semaphore(%arg9 : memref<!tpu.dma_semaphore, #tpu.memory_space<semaphore_mem>>)
      } else {
      }
      %mul3A_212 = arith.constant 4 : i32
      %mul3A_213 = arith.muli %add3A_109, %mul3A_212 : i32
      %add3A_214 = arith.constant 3 : i32
      %add3A_215 = arith.addi %mul3A_213, %add3A_214 : i32
      %dma_wait3A_216 = arith.constant 3 : i32
      %dma_wait3A_217 = arith.constant 0 : i32
      %dma_wait3A_218 = arith.constant 0 : i32
      %dma_wait3A_219 = tpu.memref_slice %arg6[%dma_wait3A_216, %dma_wait3A_217, %dma_wait3A_218] : memref<4x320x64xf32, #tpu.memory_space<vmem>> -> memref<1x320x64xf32, #tpu.memory_space<vmem>>
      %dma_wait3A_220 = tpu.memref_squeeze %dma_wait3A_219 : memref<1x320x64xf32, #tpu.memory_space<vmem>> -> memref<320x64xf32, #tpu.memory_space<vmem>>
      %dma_wait3A_221 = arith.constant 0 : i32
      %dma_wait3A_222 = tpu.memref_slice %arg5[%dma_wait3A_221] : memref<25600xi32, #tpu.memory_space<vmem>> -> memref<320xi32, #tpu.memory_space<vmem>>
      %dma_wait3A_223 = arith.constant 0 : i32
      %dma_wait3A_224 = arith.constant 0 : i32
      %dma_wait3A_225 = tpu.memref_slice %arg3[%dma_wait3A_223, %dma_wait3A_224] : memref<1000000x64xf32, #tpu.memory_space<hbm>> -> memref<1000000x64xf32, #tpu.memory_space<hbm>>
      tpu.wait_indirect_dma semaphore(%arg10 : memref<!tpu.dma_semaphore, #tpu.memory_space<semaphore_mem>>) src(%dma_wait3A_225 : memref<1000000x64xf32, #tpu.memory_space<hbm>>) dst(%dma_wait3A_220 : memref<320x64xf32, #tpu.memory_space<vmem>>)
      %mul3A_226 = arith.constant 320 : i32
      %mul3A_227 = arith.muli %add3A_215, %mul3A_226 : i32
      %add3A_228 = arith.addi %mul3A_2, %mul3A_227 : i32
      %dma_start3A_229 = arith.constant 3 : i32
      %dma_start3A_230 = arith.constant 0 : i32
      %dma_start3A_231 = arith.constant 0 : i32
      %dma_start3A_232 = tpu.memref_slice %arg6[%dma_start3A_229, %dma_start3A_230, %dma_start3A_231] : memref<4x320x64xf32, #tpu.memory_space<vmem>> -> memref<1x320x64xf32, #tpu.memory_space<vmem>>
      %dma_start3A_233 = tpu.memref_squeeze %dma_start3A_232 : memref<1x320x64xf32, #tpu.memory_space<vmem>> -> memref<320x64xf32, #tpu.memory_space<vmem>>
      %dma_start3A_234 = arith.constant 0 : i32
      %dma_start3A_235 = tpu.memref_slice %arg4[%add3A_228, %dma_start3A_234] : memref<819200x64xf32, #tpu.memory_space<hbm>> -> memref<320x64xf32, #tpu.memory_space<hbm>>
      %dma_start3A_236 = arith.constant 0 : i32
      %dma_start3A_237 = tpu.memref_slice %arg4[%add3A_228, %dma_start3A_236] : memref<819200x64xf32, #tpu.memory_space<hbm>> -> memref<320x64xf32, #tpu.memory_space<hbm>>
      %dma_start3A_238 = arith.constant 0 : i32
      %dma_start3A_239 = arith.constant 0 : i32
      %dma_start3A_240 = tpu.memref_slice %arg6[%dma_start3A_229, %dma_start3A_238, %dma_start3A_239] : memref<4x320x64xf32, #tpu.memory_space<vmem>> -> memref<1x320x64xf32, #tpu.memory_space<vmem>>
      %dma_start3A_241 = tpu.memref_squeeze %dma_start3A_240 : memref<1x320x64xf32, #tpu.memory_space<vmem>> -> memref<320x64xf32, #tpu.memory_space<vmem>>
      tpu.enqueue_dma source(%dma_start3A_241 : memref<320x64xf32, #tpu.memory_space<vmem>>) target(%dma_start3A_237 : memref<320x64xf32, #tpu.memory_space<hbm>>) target_semaphore(%arg14 : memref<!tpu.dma_semaphore, #tpu.memory_space<semaphore_mem>>)
      %lt3A_242 = arith.constant 19 : i32
      %lt3A_243 = arith.cmpi slt, %add3A_109, %lt3A_242 : i32
      %convert_element_type3A_244 = arith.extui %lt3A_243 : i1 to i32
      %cond3A_245 = arith.constant 0 : i32
      %cond3A_246 = arith.cmpi ne, %convert_element_type3A_244, %cond3A_245 : i32
      scf.if %cond3A_246 {
        %add3A_247 = arith.constant 0 : i32
        %add3A_248 = arith.addi %mul3A_2, %add3A_247 : i32
        %dma_wait3A_249 = arith.constant 3 : i32
        %dma_wait3A_250 = arith.constant 0 : i32
        %dma_wait3A_251 = arith.constant 0 : i32
        %dma_wait3A_252 = tpu.memref_slice %arg6[%dma_wait3A_249, %dma_wait3A_250, %dma_wait3A_251] : memref<4x320x64xf32, #tpu.memory_space<vmem>> -> memref<1x320x64xf32, #tpu.memory_space<vmem>>
        %dma_wait3A_253 = tpu.memref_squeeze %dma_wait3A_252 : memref<1x320x64xf32, #tpu.memory_space<vmem>> -> memref<320x64xf32, #tpu.memory_space<vmem>>
        %dma_wait3A_254 = arith.constant 0 : i32
        %dma_wait3A_255 = tpu.memref_slice %arg4[%add3A_248, %dma_wait3A_254] : memref<819200x64xf32, #tpu.memory_space<hbm>> -> memref<320x64xf32, #tpu.memory_space<hbm>>
        %dma_wait3A_256 = arith.constant 0 : i32
        %dma_wait3A_257 = tpu.memref_slice %arg4[%add3A_248, %dma_wait3A_256] : memref<819200x64xf32, #tpu.memory_space<hbm>> -> memref<320x64xf32, #tpu.memory_space<hbm>>
        %dma_wait3A_258 = arith.constant 0 : i32
        %dma_wait3A_259 = arith.constant 0 : i32
        %dma_wait3A_260 = tpu.memref_slice %arg6[%dma_wait3A_249, %dma_wait3A_258, %dma_wait3A_259] : memref<4x320x64xf32, #tpu.memory_space<vmem>> -> memref<1x320x64xf32, #tpu.memory_space<vmem>>
        %dma_wait3A_261 = tpu.memref_squeeze %dma_wait3A_260 : memref<1x320x64xf32, #tpu.memory_space<vmem>> -> memref<320x64xf32, #tpu.memory_space<vmem>>
        tpu.wait_dma2 semaphore(%arg14 : memref<!tpu.dma_semaphore, #tpu.memory_space<semaphore_mem>>) src(%dma_wait3A_261 : memref<320x64xf32, #tpu.memory_space<vmem>>) dst(%dma_wait3A_257 : memref<320x64xf32, #tpu.memory_space<hbm>>)
        %add3A_262 = arith.constant 4 : i32
        %add3A_263 = arith.addi %add3A_215, %add3A_262 : i32
        %mul3A_264 = arith.constant 320 : i32
        %mul3A_265 = arith.muli %add3A_263, %mul3A_264 : i32
        %dma_start3A_266 = arith.constant 3 : i32
        %dma_start3A_267 = arith.constant 0 : i32
        %dma_start3A_268 = arith.constant 0 : i32
        %dma_start3A_269 = tpu.memref_slice %arg6[%dma_start3A_266, %dma_start3A_267, %dma_start3A_268] : memref<4x320x64xf32, #tpu.memory_space<vmem>> -> memref<1x320x64xf32, #tpu.memory_space<vmem>>
        %dma_start3A_270 = tpu.memref_squeeze %dma_start3A_269 : memref<1x320x64xf32, #tpu.memory_space<vmem>> -> memref<320x64xf32, #tpu.memory_space<vmem>>
        %dma_start3A_271 = tpu.memref_slice %arg5[%mul3A_265] : memref<25600xi32, #tpu.memory_space<vmem>> -> memref<320xi32, #tpu.memory_space<vmem>>
        %dma_start3A_272 = arith.constant 0 : i32
        %dma_start3A_273 = arith.constant 0 : i32
        %dma_start3A_274 = tpu.memref_slice %arg3[%dma_start3A_272, %dma_start3A_273] : memref<1000000x64xf32, #tpu.memory_space<hbm>> -> memref<1000000x64xf32, #tpu.memory_space<hbm>>
        tpu.enqueue_indirect_dma source(%dma_start3A_274 : memref<1000000x64xf32, #tpu.memory_space<hbm>>) target(%dma_start3A_270 : memref<320x64xf32, #tpu.memory_space<vmem>>) offsets(%dma_start3A_271 : memref<320xi32, #tpu.memory_space<vmem>>) semaphore(%arg10 : memref<!tpu.dma_semaphore, #tpu.memory_space<semaphore_mem>>)
      } else {
      }
    }
    %scan3A_45 = arith.constant 20 : i32
    %add3A_46 = arith.constant 0 : i32
    %add3A_47 = arith.addi %mul3A_2, %add3A_46 : i32
    %dma_wait3A = arith.constant 0 : i32
    %dma_wait3A_48 = arith.constant 0 : i32
    %dma_wait3A_49 = arith.constant 0 : i32
    %dma_wait3A_50 = tpu.memref_slice %arg6[%dma_wait3A, %dma_wait3A_48, %dma_wait3A_49] : memref<4x320x64xf32, #tpu.memory_space<vmem>> -> memref<1x320x64xf32, #tpu.memory_space<vmem>>
    %dma_wait3A_51 = tpu.memref_squeeze %dma_wait3A_50 : memref<1x320x64xf32, #tpu.memory_space<vmem>> -> memref<320x64xf32, #tpu.memory_space<vmem>>
    %dma_wait3A_52 = arith.constant 0 : i32
    %dma_wait3A_53 = tpu.memref_slice %arg4[%add3A_47, %dma_wait3A_52] : memref<819200x64xf32, #tpu.memory_space<hbm>> -> memref<320x64xf32, #tpu.memory_space<hbm>>
    %dma_wait3A_54 = arith.constant 0 : i32
    %dma_wait3A_55 = tpu.memref_slice %arg4[%add3A_47, %dma_wait3A_54] : memref<819200x64xf32, #tpu.memory_space<hbm>> -> memref<320x64xf32, #tpu.memory_space<hbm>>
    %dma_wait3A_56 = arith.constant 0 : i32
    %dma_wait3A_57 = arith.constant 0 : i32
    %dma_wait3A_58 = tpu.memref_slice %arg6[%dma_wait3A, %dma_wait3A_56, %dma_wait3A_57] : memref<4x320x64xf32, #tpu.memory_space<vmem>> -> memref<1x320x64xf32, #tpu.memory_space<vmem>>
    %dma_wait3A_59 = tpu.memref_squeeze %dma_wait3A_58 : memref<1x320x64xf32, #tpu.memory_space<vmem>> -> memref<320x64xf32, #tpu.memory_space<vmem>>
    tpu.wait_dma2 semaphore(%arg11 : memref<!tpu.dma_semaphore, #tpu.memory_space<semaphore_mem>>) src(%dma_wait3A_59 : memref<320x64xf32, #tpu.memory_space<vmem>>) dst(%dma_wait3A_55 : memref<320x64xf32, #tpu.memory_space<hbm>>)
    %add3A_60 = arith.constant 0 : i32
    %add3A_61 = arith.addi %mul3A_2, %add3A_60 : i32
    %dma_wait3A_62 = arith.constant 1 : i32
    %dma_wait3A_63 = arith.constant 0 : i32
    %dma_wait3A_64 = arith.constant 0 : i32
    %dma_wait3A_65 = tpu.memref_slice %arg6[%dma_wait3A_62, %dma_wait3A_63, %dma_wait3A_64] : memref<4x320x64xf32, #tpu.memory_space<vmem>> -> memref<1x320x64xf32, #tpu.memory_space<vmem>>
    %dma_wait3A_66 = tpu.memref_squeeze %dma_wait3A_65 : memref<1x320x64xf32, #tpu.memory_space<vmem>> -> memref<320x64xf32, #tpu.memory_space<vmem>>
    %dma_wait3A_67 = arith.constant 0 : i32
    %dma_wait3A_68 = tpu.memref_slice %arg4[%add3A_61, %dma_wait3A_67] : memref<819200x64xf32, #tpu.memory_space<hbm>> -> memref<320x64xf32, #tpu.memory_space<hbm>>
    %dma_wait3A_69 = arith.constant 0 : i32
    %dma_wait3A_70 = tpu.memref_slice %arg4[%add3A_61, %dma_wait3A_69] : memref<819200x64xf32, #tpu.memory_space<hbm>> -> memref<320x64xf32, #tpu.memory_space<hbm>>
    %dma_wait3A_71 = arith.constant 0 : i32
    %dma_wait3A_72 = arith.constant 0 : i32
    %dma_wait3A_73 = tpu.memref_slice %arg6[%dma_wait3A_62, %dma_wait3A_71, %dma_wait3A_72] : memref<4x320x64xf32, #tpu.memory_space<vmem>> -> memref<1x320x64xf32, #tpu.memory_space<vmem>>
    %dma_wait3A_74 = tpu.memref_squeeze %dma_wait3A_73 : memref<1x320x64xf32, #tpu.memory_space<vmem>> -> memref<320x64xf32, #tpu.memory_space<vmem>>
    tpu.wait_dma2 semaphore(%arg12 : memref<!tpu.dma_semaphore, #tpu.memory_space<semaphore_mem>>) src(%dma_wait3A_74 : memref<320x64xf32, #tpu.memory_space<vmem>>) dst(%dma_wait3A_70 : memref<320x64xf32, #tpu.memory_space<hbm>>)
    %add3A_75 = arith.constant 0 : i32
    %add3A_76 = arith.addi %mul3A_2, %add3A_75 : i32
    %dma_wait3A_77 = arith.constant 2 : i32
    %dma_wait3A_78 = arith.constant 0 : i32
    %dma_wait3A_79 = arith.constant 0 : i32
    %dma_wait3A_80 = tpu.memref_slice %arg6[%dma_wait3A_77, %dma_wait3A_78, %dma_wait3A_79] : memref<4x320x64xf32, #tpu.memory_space<vmem>> -> memref<1x320x64xf32, #tpu.memory_space<vmem>>
    %dma_wait3A_81 = tpu.memref_squeeze %dma_wait3A_80 : memref<1x320x64xf32, #tpu.memory_space<vmem>> -> memref<320x64xf32, #tpu.memory_space<vmem>>
    %dma_wait3A_82 = arith.constant 0 : i32
    %dma_wait3A_83 = tpu.memref_slice %arg4[%add3A_76, %dma_wait3A_82] : memref<819200x64xf32, #tpu.memory_space<hbm>> -> memref<320x64xf32, #tpu.memory_space<hbm>>
    %dma_wait3A_84 = arith.constant 0 : i32
    %dma_wait3A_85 = tpu.memref_slice %arg4[%add3A_76, %dma_wait3A_84] : memref<819200x64xf32, #tpu.memory_space<hbm>> -> memref<320x64xf32, #tpu.memory_space<hbm>>
    %dma_wait3A_86 = arith.constant 0 : i32
    %dma_wait3A_87 = arith.constant 0 : i32
    %dma_wait3A_88 = tpu.memref_slice %arg6[%dma_wait3A_77, %dma_wait3A_86, %dma_wait3A_87] : memref<4x320x64xf32, #tpu.memory_space<vmem>> -> memref<1x320x64xf32, #tpu.memory_space<vmem>>
    %dma_wait3A_89 = tpu.memref_squeeze %dma_wait3A_88 : memref<1x320x64xf32, #tpu.memory_space<vmem>> -> memref<320x64xf32, #tpu.memory_space<vmem>>
    tpu.wait_dma2 semaphore(%arg13 : memref<!tpu.dma_semaphore, #tpu.memory_space<semaphore_mem>>) src(%dma_wait3A_89 : memref<320x64xf32, #tpu.memory_space<vmem>>) dst(%dma_wait3A_85 : memref<320x64xf32, #tpu.memory_space<hbm>>)
    %add3A_90 = arith.constant 0 : i32
    %add3A_91 = arith.addi %mul3A_2, %add3A_90 : i32
    %dma_wait3A_92 = arith.constant 3 : i32
    %dma_wait3A_93 = arith.constant 0 : i32
    %dma_wait3A_94 = arith.constant 0 : i32
    %dma_wait3A_95 = tpu.memref_slice %arg6[%dma_wait3A_92, %dma_wait3A_93, %dma_wait3A_94] : memref<4x320x64xf32, #tpu.memory_space<vmem>> -> memref<1x320x64xf32, #tpu.memory_space<vmem>>
    %dma_wait3A_96 = tpu.memref_squeeze %dma_wait3A_95 : memref<1x320x64xf32, #tpu.memory_space<vmem>> -> memref<320x64xf32, #tpu.memory_space<vmem>>
    %dma_wait3A_97 = arith.constant 0 : i32
    %dma_wait3A_98 = tpu.memref_slice %arg4[%add3A_91, %dma_wait3A_97] : memref<819200x64xf32, #tpu.memory_space<hbm>> -> memref<320x64xf32, #tpu.memory_space<hbm>>
    %dma_wait3A_99 = arith.constant 0 : i32
    %dma_wait3A_100 = tpu.memref_slice %arg4[%add3A_91, %dma_wait3A_99] : memref<819200x64xf32, #tpu.memory_space<hbm>> -> memref<320x64xf32, #tpu.memory_space<hbm>>
    %dma_wait3A_101 = arith.constant 0 : i32
    %dma_wait3A_102 = arith.constant 0 : i32
    %dma_wait3A_103 = tpu.memref_slice %arg6[%dma_wait3A_92, %dma_wait3A_101, %dma_wait3A_102] : memref<4x320x64xf32, #tpu.memory_space<vmem>> -> memref<1x320x64xf32, #tpu.memory_space<vmem>>
    %dma_wait3A_104 = tpu.memref_squeeze %dma_wait3A_103 : memref<1x320x64xf32, #tpu.memory_space<vmem>> -> memref<320x64xf32, #tpu.memory_space<vmem>>
    tpu.wait_dma2 semaphore(%arg14 : memref<!tpu.dma_semaphore, #tpu.memory_space<semaphore_mem>>) src(%dma_wait3A_104 : memref<320x64xf32, #tpu.memory_space<vmem>>) dst(%dma_wait3A_100 : memref<320x64xf32, #tpu.memory_space<hbm>>)
    return
  }
}

</mosaic_0001>

<sc_bundles>
// kernel: _emb.3.cloned.1.call-start
scs
__scs_entry_jumppad:
0x0: {  	(pc) =	sbr.rel $0x88, $3  }
0x1: {  	(tag) =	ssettag $0x0;
	lr =	simm.s32 $0x1  }
0x2: {  	[smem:$0x3F9F] =	sst lr;
	_ =	strace $0xD0000000  }
0x3: {  	_ = 	snop  }
0x4: {  	_ = 	snop  }
0x5: {  	_ = 	snop  }
0x6: {  	_ = 	snop  }
0x7: {  	_ = 	snop  }
__scs_overlays_trampoline_lowered:
0x8: {  	[smem:$0x3FAE] =	sst s0  }
0x9: {  	[smem:$0x3FAF] =	sst s1  }
0xa: {  	[smem:$0x3FB0] =	sst s2  }
0xb: {  	[smem:$0x3FB1] =	sst s3  }
0xc: {  	[smem:$0x3FB2] =	sst s4  }
0xd: {  	[smem:$0x3FB3] =	sst s5  }
0xe: {  	[smem:$0x3FB4] =	sst s6  }
0xf: {  	[smem:$0x3FB5] =	sst s7  }
0x10: {  	[smem:$0x3FB6] =	sst s8  }
0x11: {  	[smem:$0x3FB7] =	sst s9;
	s0 =	simm.s32 @!p0 $0x0  }
0x12: {  	s1 =	sld [smem:$0x3F9D];
	s0 =	simm.s32 @p0 $0x1  }
0x13: {  	[smem:$0x3FB8] =	sst s0;
	s0 =	simm.s32 @!p1 $0x0  }
0x14: {  	s2 =	sld [smem:$0x3F9C];
	s0 =	simm.s32 @p1 $0x1  }
0x15: {  	[smem:$0x3FB9] =	sst s0;
	s0 =	simm.s32 @!p2 $0x0  }
0x16: {  	s3 =	sld [smem:$0x3FDB];
	s0 =	simm.s32 @p2 $0x1  }
0x17: {  	s4 =	simm.s32 $0x1BF5;
	[smem:$0x3FBB] =	sst s0  }
0x18: {  	s0 =	sld [smem:$0x3F9E];
	_ =	swait.ge [sflag:s4], $0x0  }
0x19: {  	s7 =	sld [smem:$0x3F9F]  }
0x1a: {  	s8 =	sadd.s32 $0xFFFFE003, lr  }
0x1b: {  	s9 =	sadd.s32 $0xFFFFFEF7, lr;
	s5 =	simm.s32 $0xFFFFFFFF;
	p2 =	slt.u32 s8, $0xFFFFF086  }
0x1c: {  	p1 =	slt.u32 s9, $0xF7A;
	s5 =	simm.s32 @!p2 $0x0  }
0x1d: {  	s5 =	simm.s32 @p1 $0x1;
	p0 =	seq.s32 s7, s2  }
0x1e: {  	s7 =	smul.u32 @!p0 $0xF7A, s2;
	p2 =	seq.s32 @!p0 s5, $0x0  }
0x1f: {  	s9 =	smul.u32 $0xF7A, s1;
	s8 =	simm.s32 @!p0 $0x1BF5;
	p2 =	por !p2, p0  }
0x20: {  	[sflag:s8] =	ssyncset.s32 @!p0 $0xFFFFF086;
	s6 =	sadd.s32 @!p0 s3, s7;
	s7 =	simm.s32 @!p0 $0x108  }
0x21: {  	s3 =	sadd.s32 s3, s9;
	s6 =	sadd.s32 @!p0 $0x88, s6;
	s7 =	simm.s32 @p2 $0x1082  }
0x22: {  	[simem:s7], [sflag:s8] =	dma.local @!p0 [hbm:s6], $0xF7A  }
0x23: {  	s9 =	sor.u32 $0xD0000000, s2;
	s6 =	simm.s32 $0x108;
	_ =	swait.ge @!p0 [sflag:s8], $0x0  }
0x24: {  	s3 =	sadd.s32 $0x88, s3;
	s6 =	simm.s32 @!p1 $0x1082;
	[sflag:s4] =	ssyncset.s32 $0xFFFFF086  }
0x25: {  	[simem:s6], [sflag:s4] =	dma.local [hbm:s3], $0xF7A  }
0x26: {  	[smem:$0x3F9F] =	sst s1;
	(tag) =	ssettag s2;
	_ =	strace s9  }
0x27: {  	s1 =	sld [smem:$0x3FAF]  }
0x28: {  	s2 =	sld [smem:$0x3FB0]  }
0x29: {  	s4 =	sld [smem:$0x3FB2]  }
0x2a: {  	p0 =	seq.s32 s5, $0x0;
	s5 =	sld [smem:$0x3FB3]  }
0x2b: {  	s6 =	sld [smem:$0x3FB4]  }
0x2c: {  	s7 =	sld [smem:$0x3FB5]  }
0x2d: {  	s3 =	simm.s32 $0x108;
	s8 =	sld [smem:$0x3FB6]  }
0x2e: {  	s3 =	simm.s32 @!p0 $0x1082;
	s9 =	sld [smem:$0x3FB7]  }
0x2f: {  	lr =	sadd.s32 s0, s3;
	s0 =	sld [smem:$0x3FAE]  }
0x30: {  	s3 =	sld [smem:$0x3FB1]  }
0x31: {  	[smem:$0x3FBA] =	sst s10  }
0x32: {  	s10 =	sld [smem:$0x3FB8];
	_ =	sdelay $0x3  }
0x33: {  	p0 =	seq.s32 s10, $0x1;
	s10 =	sld [smem:$0x3FBA];
	_ =	sdelay $0x3  }
0x34: {  	[smem:$0x3FBA] =	sst s10  }
0x35: {  	s10 =	sld [smem:$0x3FB9];
	_ =	sdelay $0x3  }
0x36: {  	p1 =	seq.s32 s10, $0x1;
	s10 =	sld [smem:$0x3FBA];
	_ =	sdelay $0x3  }
0x37: {  	[smem:$0x3FBA] =	sst s10  }
0x38: {  	s10 =	sld [smem:$0x3FBB]  }
0x39: {  	_ = 	snop;
	(pc) =	sbr.ind lr, $3  }
0x3a: {  	_ = 	snop  }
0x3b: {  	_ = 	snop  }
0x3c: {  	p2 =	seq.s32 s10, $0x1;
	s10 =	sld [smem:$0x3FBA]  }
0x3d: {  	_ =	shalt  }
0x3e: {  	_ =	shalt  }
0x3f: {  	_ =	shalt  }
0x40: {  	_ =	shalt  }
0x41: {  	_ =	shalt  }
0x42: {  	_ =	shalt  }
0x43: {  	_ =	shalt  }
0x44: {  	_ =	shalt  }
0x45: {  	_ =	shalt  }
0x46: {  	_ =	shalt  }
0x47: {  	_ =	shalt  }
0x48: {  	_ =	shalt  }
0x49: {  	_ =	shalt  }
0x4a: {  	_ =	shalt  }
0x4b: {  	_ =	shalt  }
0x4c: {  	_ =	shalt  }
0x4d: {  	_ =	shalt  }
0x4e: {  	_ =	shalt  }
0x4f: {  	_ =	shalt  }
0x50: {  	_ =	shalt  }
0x51: {  	_ =	shalt  }
0x52: {  	_ =	shalt  }
0x53: {  	_ =	shalt  }
0x54: {  	_ =	shalt  }
0x55: {  	_ =	shalt  }
0x56: {  	_ =	shalt  }
0x57: {  	_ =	shalt  }
0x58: {  	_ =	shalt  }
0x59: {  	_ =	shalt  }
0x5a: {  	_ =	shalt  }
0x5b: {  	_ =	shalt  }
0x5c: {  	_ =	shalt  }
0x5d: {  	_ =	shalt  }
0x5e: {  	_ =	shalt  }
0x5f: {  	_ =	shalt  }
0x60: {  	_ =	shalt  }
0x61: {  	_ =	shalt  }
0x62: {  	_ =	shalt  }
0x63: {  	_ =	shalt  }
0x64: {  	_ =	shalt  }
0x65: {  	_ =	shalt  }
0x66: {  	_ =	shalt  }
0x67: {  	_ =	shalt  }
0x68: {  	_ =	shalt  }
0x69: {  	_ =	shalt  }
0x6a: {  	_ =	shalt  }
0x6b: {  	_ =	shalt  }
0x6c: {  	_ =	shalt  }
0x6d: {  	_ =	shalt  }
0x6e: {  	_ =	shalt  }
0x6f: {  	_ =	shalt  }
0x70: {  	_ =	shalt  }
0x71: {  	_ =	shalt  }
0x72: {  	_ =	shalt  }
0x73: {  	_ =	shalt  }
0x74: {  	_ =	shalt  }
0x75: {  	_ =	shalt  }
0x76: {  	_ =	shalt  }
0x77: {  	_ =	shalt  }
0x78: {  	_ =	shalt  }
0x79: {  	_ =	shalt  }
0x7a: {  	_ =	shalt  }
0x7b: {  	_ =	shalt  }
0x7c: {  	_ =	shalt  }
0x7d: {  	_ =	shalt  }
0x7e: {  	_ =	shalt  }
0x7f: {  	_ =	shalt  }
0x80: {  	_ =	shalt  }
0x81: {  	_ =	shalt  }
0x82: {  	_ =	shalt  }
0x83: {  	_ =	shalt  }
0x84: {  	_ =	shalt  }
0x85: {  	_ =	shalt  }
0x86: {  	_ =	shalt  }
0x87: {  	_ =	shalt  }
.Lfunc_end0:
.L_simem_size_0:
called_computation.1_lowered:
.L_overlay_start_0:
0x88: {  	s2 =	sld [smem:$0x3FD9]  }
0x89: {  	s3 =	sld [smem:$0x3FFE];
	_ =	sdelay $0x1  }
0x8a: {  	s1 =	srdreg.scid  }
0x8b: {  	s0 =	sand.u32 $0x1, s1  }
0x8c: {  	s17 =	sshll.u32 s0, $0xA;
	s2 =	sadd.s32 s3, s2  }
0x8d: {  	s2 =	sadd.s32 s2, s17  }
0x8e: {  	[smem:$0x3FC6] =	sst s2  }
0x8f: {  	_ = 	snop  }
0x90: {  	s2 =	sld [smem:$0x3FC9]  }
0x91: {  	s18 =	sld [smem:$0x3FD0];
	(tm) =	ssettm $0x1  }
0x92: {  	s4 =	sld [smem:$0x3FFB];
	_ =	sdelay $0x3  }
0x93: {  	_ =	strace s4  }
0x94: {  	s4 =	sld [smem:$0x3FFC];
	_ =	sdelay $0x3  }
0x95: {  	_ =	strace s4  }
0x96: {  	s4 =	sld [smem:$0x3FFD];
	_ =	sdelay $0x3  }
0x97: {  	_ =	strace s4  }
0x98: {  	_ =	strace $0x8FFFFFFF  }
0x99: {  	s19 =	sld [smem:$0x3FDB];
	_ =	sdelay $0x1  }
0x9a: {  	s5 =	simm.s32 $_scs_section_size  }
0x9b: {  	s6 =	simm.s32 $_size__tile_overlayer_lowered;
	s7 =	simm.s32 $_tile_overlayer_lowered  }
0x9c: {  	s22 =	simm.s32 $0x1BFF;
	s21 =	sshll.u32 s7, $0x1;
	s4 =	sadd.s32 s5, s19  }
0x9d: {  	s8 =	simm.s32 $0x0;
	s20 =	sshll.u32 s6, $0x1;
	s6 =	sadd.s32 s21, s4  }
0x9e: {  	[timem:s8], [sflag:s22] =	dma.local [hbm:s6], s20  }
0x9f: {  	_ =	swait.ge [sflag:s22], s20  }
0xa0: {  	s5 =	ssub.s32 $0x0, s20;
	[sflag:s22] =	ssyncset.done $0x0  }
0xa1: {  	[sflag:s22] =	ssyncadd.s32 s5;
	_ =	sdelay $0x1  }
0xa2: {  	s23 =	simm.s32 $0x1B8B  }
0xa3: {  	_ =	swait.ge [sflag:s23], $0x1  }
0xa4: {  	[sflag:s23] =	ssyncset.done $0x0  }
0xa5: {  	s25 =	simm.s32 $0x1B8E;
	s24 =	sld [smem:$0x3FFE];
	[sflag:s23] =	ssyncadd.s32 $0xFFFFFFFF  }
0xa6: {  	s26 =	simm.s32 $execute0_lowered;
	[smem:$0x3FD2] =	sst s25  }
0xa7: {  	s6 =	sshll.u32 s26, $0x1;
	_ =	strace $0x80000046;
	[dreg:$0x1] =	wrdreg $0xFFFFFFFF  }
0xa8: {  	s28 =	simm.s32 $_size_execute0_lowered;
	s4 =	sadd.s32 s4, s6;
	[dreg:$0x0] =	wrdreg $0x0  }
0xa9: {  	s6 =	sshll.u32 s28, $0x1;
	[dreg:$0x2] =	wrdreg s4  }
0xaa: {  	[dreg:$0x3] =	wrdreg s6  }
0xab: {  	[dreg:$0x4] =	wrdreg $0xC0  }
0xac: {  	_ =	task [dreg:s8], $0x5FFFF  }
0xad: {  	[dreg:$0x1] =	wrdreg $0xFFFFFFFF  }
0xae: {  	[dreg:$0x0] =	wrdreg $0x60  }
0xaf: {  	[dreg:$0x2] =	wrdreg s2  }
0xb0: {  	[dreg:$0x3] =	wrdreg s24  }
0xb1: {  	[dreg:$0x4] =	wrdreg s18  }
0xb2: {  	[dreg:$0x5] =	wrdreg $0x9  }
0xb3: {  	_ =	task.clear_ibuf [dreg:s8], $0x6FFFF;
	_ =	strace $0x90000046  }
0xb4: {  	s29 =	simm.s32 $0x9;
	_ =	strace $0x80000048  }
0xb5: {  	_ =	swait.ge [sflag:s29], $0x1  }
0xb6: {  	[sflag:s29] =	ssyncadd.s32 $0xFFFFFFFF  }
0xb7: {  	_ =	strace $0x90000048  }
0xb8: {  	_ =	sfence  }
0xb9: {  	s30 =	sld [smem:$0x0];
	_ =	sdelay $0x2  }
0xba: {  	s31 =	sshll.u32 s1, $0xD;
	s1 =	sshrl.u32 s1, $0x2  }
0xbb: {  	s3 =	sand.u32 $0x4000, s31;
	s1 =	sadd.s32 s1, s30  }
0xbc: {  	s0 =	sor.u32 s3, s0;
	s1 =	sshll.u32 s1, $0x11  }
0xbd: {  	s0 =	sor.u32 s1, s0  }
0xbe: {  	s0 =	sadd.s32 $0x8F2B, s0  }
0xbf: {  	[sflag:s0] =	ssyncadd.remote.s32 $0x1  }
0xc0: {  	_ =	sfence.sel $0xFFFF  }
0xc1: {  	[dreg:$0x0] =	wrdreg $0xFFFFFFFF;
	(pc) =	sbr.abs _section_cstart, $3  }
0xc2: {  	[dreg:$0x1] =	wrdreg $0xFFFFFFFF  }
0xc3: {  	_ =	task.clear_ibuf [dreg:s8], $0x2FFFF;
	_ =	strace $0x9FFFFFFF  }
0xc4: {  	(tm) =	ssettm $0x7FFFFFFF  }
0xc5: {  	_ =	shalt  }
tec
execute0_lowered:
.L_overlay_start_1:
0x0: {  	(tag) =	ssettag $0x1  }
0x1: {  	s0 =	rddreg [dreg:$0x0]  }
0x2: {  	s3 =	rddreg [dreg:$0x1]  }
0x3: {  	s9 =	rddreg [dreg:$0x2]  }
0x4: {  	s2 =	simm.s32 $0x0;
	s4 =	srdreg.scid;
	s1 =	stileid.u32  }
0x5: {  	s12 =	simm.s32 $0x6400;
	s13 =	simm.s32 $0xB400;
	s15 =	simm.s32 $0x10400  }
0x6: {  	s17 =	simm.s32 $0x15400;
	s18 =	simm.s32 $0x1;
	s19 =	simm.s32 $0x2  }
0x7: {  	s20 =	simm.s32 $0x3;
	s21 =	simm.s32 $0x4;
	s22 =	simm.s32 $0x5  }
0x8: {  	s23 =	simm.s32 $0x6;
	s24 =	simm.s32 $0x7;
	s25 =	simm.s32 $0x8  }
0x9: {  	s7 =	sand.u32 $0x1, s4;
	s26 =	sshll.u32 s1, $0x1;
	s5 =	smul.u32 $0xC800, s1  }
0xa: {  	[smem:$0x7FF] =	sst s2;
	s3 =	sadd.s32 $0xF42C00, s3;
	s30 =	smul.u32 $0x64000, s1  }
0xb: {  	s4 =	sor.u32 s7, s26;
	s6 =	smul.u32 $0x6400, s7;
	_ =	strace $0x80000047  }
0xc: {  	s8 =	ssub.s32 $0x2, s7;
	s11 =	smul.u32 $0x32000, s7;
	s26 =	simm.s32 $0x0  }
0xd: {  	s4 =	smul.u32 $0x6400, s4;
	s10 =	sshrl.u32 s8, $0x1;
	s31 =	sadd.s32 s30, s9  }
.Ltmp0:
0xe: {  	s5 =	sadd.s32 s6, s5;
	s28 =	ssub.s32 s8, s10;
	(pc) =	sbr.rel .LBB2_1-.Ltmp0, $4  }
0xf: {  	s10 =	simm.s32 $0x9;
	s4 =	sshrl.u32 s4, $0x3;
	s5 =	sshll.u32 s5, $0x3  }
0x10: {  	s0 =	sadd.s32 s0, s4;
	s29 =	sadd.s32 s5, s9;
	s5 =	smax.u32 s28, $0x1  }
0x11: {  	s9 =	sadd.s32 s11, s31;
	s11 =	simm.s32 $0x140;
	[dreg:$0x4] =	wrdreg s0  }
0x12: {  	s6 =	sadd.s32 $0x1E00, s29;
	s7 =	sadd.s32 $0x1400, s29;
	s8 =	sadd.s32 $0xA00, s29  }
.LBB2_4:
0x13: {  	_ =	swait.ge [sflag:s22], $0x5000  }
0x14: {  	[sflag:s22] =	ssyncset.done $0x0  }
0x15: {  	[sflag:s22] =	ssyncadd.s32 $0xFFFFB000  }
0x16: {  	_ =	swait.ge [sflag:s23], $0x5000  }
0x17: {  	[sflag:s23] =	ssyncset.done $0x0  }
0x18: {  	s26 =	sadd.s32 $0x1, s26;
	[sflag:s23] =	ssyncadd.s32 $0xFFFFB000  }
0x19: {  	p0 =	sne.s32 s26, s5;
	_ =	swait.ge [sflag:s24], $0x5000  }
.Ltmp1:
0x1a: {  	[sflag:s24] =	ssyncset.done $0x0;
	(pc) =	sbr.rel @!p0 .LBB2_5-.Ltmp1, $4  }
0x1b: {  	[sflag:s24] =	ssyncadd.s32 $0xFFFFB000  }
0x1c: {  	_ =	swait.ge [sflag:s25], $0x5000  }
0x1d: {  	[sflag:s25] =	ssyncset.done $0x0  }
0x1e: {  	[sflag:s25] =	ssyncadd.s32 $0xFFFFB000  }
.LBB2_1:
0x1f: {  	s0 =	rddreg [dreg:$0x4]  }
0x20: {  	[tilespmem:s2], [sflag:$0x9] =	stream.linear.gather [hbm4b:s0+s2], $0x6400, $0x38;
	[tilespmem:$0x1A400] =	vst v63  }
0x21: {  	_ =	swait.ge [sflag:s10], $0x6400  }
0x22: {  	[sflag:s10] =	ssyncset.done $0x0  }
0x23: {  	[sflag:s10] =	ssyncadd.s32 $0xFFFF9C00  }
0x24: {  	[tilespmem:s12], [sflag:$0x1] =	stream.indirect.gather [hbm4b:s3+s11], $0x40, s2, s11, $0xb8;
	[tilespmem:$0x1A400] =	vst v63  }
0x25: {  	s14 =	simm.s32 $0x280  }
0x26: {  	[tilespmem:s13], [sflag:$0x2] =	stream.indirect.gather [hbm4b:s3+s11], $0x40, s11, s11, $0xb8;
	[tilespmem:$0x1A400] =	vst v63  }
0x27: {  	s16 =	simm.s32 $0x3C0;
	s28 =	smov.u32 s9;
	s29 =	smov.u32 s8  }
0x28: {  	[tilespmem:s15], [sflag:$0x3] =	stream.indirect.gather [hbm4b:s3+s11], $0x40, s14, s11, $0xb8;
	[tilespmem:$0x1A400] =	vst v63  }
0x29: {  	s30 =	smov.u32 s7;
	s31 =	smov.u32 s6;
	s0 =	simm.s32 $0x0  }
0x2a: {  	[tilespmem:s17], [sflag:$0x4] =	stream.indirect.gather [hbm4b:s3+s11], $0x40, s16, s11, $0xb8;
	[tilespmem:$0x1A400] =	vst v63  }
.LBB2_2:
0x2b: {  	_ =	swait.ge [sflag:s18], $0x5000  }
0x2c: {  	p0 =	seq.s32 s0, $0x17C00;
	[sflag:s18] =	ssyncset.done $0x0  }
0x2d: {  	s1 =	simm.s32 @!p0 $0x5;
	[sflag:s18] =	ssyncadd.s32 $0xFFFFB000  }
0x2e: {  	[hbm4b:s28+s2] =	stream.linear.scatter [tilespmem:s12], [sflag:$0x5], $0x5000, $0x38;
	[tilespmem:$0x1A400] =	vst v63  }
0x2f: {  	_ =	swait.ge @!p0 [sflag:s1], $0x5000  }
0x30: {  	[sflag:s1] =	ssyncset.done @!p0 $0x0  }
0x31: {  	[sflag:s1] =	ssyncadd.s32 @!p0 $0xFFFFB000;
	s1 =	sshra.s32 @!p0 s0, $0x2  }
0x32: {  	s16 =	simm.s32 @!p0 $0x140;
	s4 =	simm.s32 @!p0 $0x6400;
	s14 =	sadd.s32 @!p0 $0x500, s1  }
0x33: {  	[tilespmem:s4], [sflag:$0x1] =	stream.indirect.gather @!p0 [hbm4b:s3+s16], $0x40, s14, s16, $0xb8;
	[tilespmem:$0x1A400] =	vst v63  }
0x34: {  	_ =	swait.ge [sflag:s19], $0x5000  }
0x35: {  	[sflag:s19] =	ssyncset.done $0x0  }
0x36: {  	s4 =	simm.s32 @!p0 $0x6;
	[sflag:s19] =	ssyncadd.s32 $0xFFFFB000  }
0x37: {  	[hbm4b:s29+s2] =	stream.linear.scatter [tilespmem:s13], [sflag:$0x6], $0x5000, $0x38;
	[tilespmem:$0x1A400] =	vst v63  }
0x38: {  	_ =	swait.ge @!p0 [sflag:s4], $0x5000  }
0x39: {  	[sflag:s4] =	ssyncset.done @!p0 $0x0  }
0x3a: {  	s14 =	simm.s32 @!p0 $0xB400;
	[sflag:s4] =	ssyncadd.s32 @!p0 $0xFFFFB000;
	s4 =	sadd.s32 @!p0 $0x640, s1  }
0x3b: {  	[tilespmem:s14], [sflag:$0x2] =	stream.indirect.gather @!p0 [hbm4b:s3+s16], $0x40, s4, s16, $0xb8;
	[tilespmem:$0x1A400] =	vst v63  }
0x3c: {  	_ =	swait.ge [sflag:s20], $0x5000  }
0x3d: {  	[sflag:s20] =	ssyncset.done $0x0  }
0x3e: {  	s4 =	simm.s32 @!p0 $0x7;
	[sflag:s20] =	ssyncadd.s32 $0xFFFFB000  }
0x3f: {  	[hbm4b:s30+s2] =	stream.linear.scatter [tilespmem:s15], [sflag:$0x7], $0x5000, $0x38;
	[tilespmem:$0x1A400] =	vst v63  }
0x40: {  	_ =	swait.ge @!p0 [sflag:s4], $0x5000  }
0x41: {  	[sflag:s4] =	ssyncset.done @!p0 $0x0  }
0x42: {  	s1 =	sadd.s32 @!p0 $0x780, s1;
	[sflag:s4] =	ssyncadd.s32 @!p0 $0xFFFFB000;
	s4 =	simm.s32 @!p0 $0x10400  }
0x43: {  	[tilespmem:s4], [sflag:$0x3] =	stream.indirect.gather @!p0 [hbm4b:s3+s16], $0x40, s1, s16, $0xb8;
	[tilespmem:$0x1A400] =	vst v63  }
.Ltmp2:
0x44: {  	_ = 	snop;
	(pc) =	sbr.rel @p0 .LBB2_4-.Ltmp2, $4  }
0x45: {  	_ =	swait.ge [sflag:s21], $0x5000  }
0x46: {  	[sflag:s21] =	ssyncset.done $0x0  }
0x47: {  	[sflag:s21] =	ssyncadd.s32 $0xFFFFB000  }
0x48: {  	[hbm4b:s31+s2] =	stream.linear.scatter [tilespmem:s17], [sflag:$0x8], $0x5000, $0x38;
	[tilespmem:$0x1A400] =	vst v63  }
.Ltmp3:
0x49: {  	_ =	swait.ge [sflag:s25], $0x5000;
	(pc) =	sbr.rel .LBB2_2-.Ltmp3, $4  }
0x4a: {  	s1 =	sshra.s32 s0, $0x2;
	s0 =	sadd.s32 $0x1400, s0;
	s31 =	sadd.s32 $0x2800, s31  }
0x4b: {  	s30 =	sadd.s32 $0x2800, s30;
	s29 =	sadd.s32 $0x2800, s29;
	[sflag:s25] =	ssyncset.done $0x0  }
0x4c: {  	s28 =	sadd.s32 $0x2800, s28;
	s1 =	sadd.s32 $0x8C0, s1;
	[sflag:s25] =	ssyncadd.s32 $0xFFFFB000  }
0x4d: {  	[tilespmem:s17], [sflag:$0x4] =	stream.indirect.gather [hbm4b:s3+s11], $0x40, s1, s11, $0xb8;
	[tilespmem:$0x1A400] =	vst v63  }
.LBB2_5:
0x4e: {  	_ =	sfence.sel $0x180000  }
0x4f: {  	[bflag:$0x0] =	sbarrier.arrive $0xFFFF  }
0x50: {  	_ =	strace $0x90000047  }
0x51: {  	s0 =	stileid.u32;
	[bflag:$0x2] =	sbarrier.arrive $0xFFFF  }
0x52: {  	p0 =	sne.s32 s0, $0x0;
	s0 =	rddreg [dreg:$0x3]  }
0x53: {  	s0 =	sadd.s32 @!p0 $0x100000, s0  }
0x54: {  	[sflag:s0] =	ssyncadd.tile.s32 @!p0 $0x1;
	_ =	shalt  }
.Lfunc_end2:
_tile_overlayer_lowered:
.L_overlay_start_2:
0x55: {  	(tag) =	ssettag $0x2  }
0x56: {  	s0 =	rddreg [dreg:$0x0];
	s2 =	stileid.u32  }
0x57: {  	s1 =	rddreg [dreg:$0x1];
	p0 =	sne.s32 s2, $0x0  }
0x58: {  	s3 =	rddreg [dreg:$0x2];
	[bflag:$0x3] =	sbarrier.arrive $0xFFFF;
	s2 =	simm.s32 @!p0 $0x1C09  }
0x59: {  	[timem:s3], [sflag:s2] =	dma.local @!p0 [hbm:s0], s1  }
0x5a: {  	s0 =	simm.s32 @!p0 $0x9  }
0x5b: {  	_ =	swait.ge @!p0 [sflag:s0], s1  }
0x5c: {  	s1 =	ssub.s32 @!p0 $0x0, s1;
	[sflag:s0] =	ssyncset.done @!p0 $0x0  }
0x5d: {  	[sflag:s0] =	ssyncadd.s32 @!p0 s1  }
0x5e: {  	[bflag:$0x3] =	sbarrier.arrive $0xFFFF  }
0x5f: {  	_ =	shalt  }

// kernel: sparse-core-data-format-call.cloned.1.call-start
scs
called_computation_lowered:
.L_overlay_start_0:
0x0: {  	s2 =	sld [smem:$0x3FD9]  }
0x1: {  	s3 =	sld [smem:$0x3FFE];
	_ =	sdelay $0x1  }
0x2: {  	s1 =	srdreg.scid  }
0x3: {  	s0 =	sand.u32 $0x1, s1  }
0x4: {  	s18 =	sshll.u32 s0, $0xA;
	s2 =	sadd.s32 s3, s2  }
0x5: {  	s2 =	sadd.s32 s2, s18  }
0x6: {  	[smem:$0x3FC6] =	sst s2  }
0x7: {  	_ = 	snop  }
0x8: {  	s2 =	sld [smem:$0x3FD0];
	(tm) =	ssettm $0x1  }
0x9: {  	s19 =	sld [smem:$0x3FFB];
	_ =	sdelay $0x3  }
0xa: {  	_ =	strace s19  }
0xb: {  	s3 =	sld [smem:$0x3FFC];
	_ =	sdelay $0x3  }
0xc: {  	_ =	strace s3  }
0xd: {  	s3 =	sld [smem:$0x3FFD];
	_ =	sdelay $0x3  }
0xe: {  	_ =	strace s3  }
0xf: {  	_ =	strace $0x8FFFFFFF  }
0x10: {  	s20 =	sld [smem:$0x3FDB];
	_ =	sdelay $0x1  }
0x11: {  	s4 =	simm.s32 $_scs_section_size  }
0x12: {  	s5 =	simm.s32 $_size__tile_overlayer_lowered;
	s6 =	simm.s32 $_tile_overlayer_lowered  }
0x13: {  	s23 =	simm.s32 $0x1BFF;
	s22 =	sshll.u32 s6, $0x1;
	s3 =	sadd.s32 s4, s20  }
0x14: {  	s7 =	simm.s32 $0x0;
	s21 =	sshll.u32 s5, $0x1;
	s5 =	sadd.s32 s22, s3  }
0x15: {  	[timem:s7], [sflag:s23] =	dma.local [hbm:s5], s21  }
0x16: {  	_ =	swait.ge [sflag:s23], s21  }
0x17: {  	s4 =	ssub.s32 $0x0, s21;
	[sflag:s23] =	ssyncset.done $0x0  }
0x18: {  	[sflag:s23] =	ssyncadd.s32 s4;
	_ =	sdelay $0x1  }
0x19: {  	s24 =	simm.s32 $0x1B8B  }
0x1a: {  	_ =	swait.ge [sflag:s24], $0x1  }
0x1b: {  	[sflag:s24] =	ssyncset.done $0x0  }
0x1c: {  	s26 =	simm.s32 $0x1B8E;
	s25 =	sld [smem:$0x3FFE];
	[sflag:s24] =	ssyncadd.s32 $0xFFFFFFFF  }
0x1d: {  	s27 =	simm.s32 $execute0_lowered;
	[smem:$0x3FD2] =	sst s26  }
0x1e: {  	s5 =	sshll.u32 s27, $0x1;
	_ =	strace $0x80000049;
	[dreg:$0x1] =	wrdreg $0xFFFFFFFF  }
0x1f: {  	s28 =	simm.s32 $_size_execute0_lowered;
	s3 =	sadd.s32 s3, s5;
	[dreg:$0x0] =	wrdreg $0x0  }
0x20: {  	s5 =	sshll.u32 s28, $0x1;
	[dreg:$0x2] =	wrdreg s3  }
0x21: {  	[dreg:$0x3] =	wrdreg s5  }
0x22: {  	[dreg:$0x4] =	wrdreg $0xC0  }
0x23: {  	_ =	task [dreg:s7], $0x5FFFF  }
0x24: {  	[dreg:$0x1] =	wrdreg $0xFFFFFFFF  }
0x25: {  	[dreg:$0x0] =	wrdreg $0x60  }
0x26: {  	[dreg:$0x2] =	wrdreg s25  }
0x27: {  	[dreg:$0x3] =	wrdreg s2  }
0x28: {  	[dreg:$0x4] =	wrdreg $0x9  }
0x29: {  	_ =	task.clear_ibuf [dreg:s7], $0x5FFFF;
	_ =	strace $0x90000049  }
0x2a: {  	s29 =	simm.s32 $0x9;
	_ =	strace $0x8000004B  }
0x2b: {  	_ =	swait.ge [sflag:s29], $0x1  }
0x2c: {  	[sflag:s29] =	ssyncadd.s32 $0xFFFFFFFF  }
0x2d: {  	_ =	strace $0x9000004B  }
0x2e: {  	_ =	sfence  }
0x2f: {  	s30 =	sld [smem:$0x0];
	_ =	sdelay $0x2  }
0x30: {  	s31 =	sshll.u32 s1, $0xD;
	s1 =	sshrl.u32 s1, $0x2  }
0x31: {  	s3 =	sand.u32 $0x4000, s31;
	s1 =	sadd.s32 s1, s30  }
0x32: {  	s0 =	sor.u32 s3, s0;
	s1 =	sshll.u32 s1, $0x11  }
0x33: {  	s0 =	sor.u32 s1, s0  }
0x34: {  	s0 =	sadd.s32 $0x8F2B, s0  }
0x35: {  	[sflag:s0] =	ssyncadd.remote.s32 $0x1  }
0x36: {  	_ =	sfence.sel $0xFFFF  }
0x37: {  	[dreg:$0x0] =	wrdreg $0xFFFFFFFF;
	(pc) =	sbr.abs _section_cstart, $3  }
0x38: {  	[dreg:$0x1] =	wrdreg $0xFFFFFFFF  }
0x39: {  	_ =	task.clear_ibuf [dreg:s7], $0x2FFFF;
	_ =	strace $0x9FFFFFFF  }
0x3a: {  	(tm) =	ssettm $0x7FFFFFFF  }
0x3b: {  	_ =	shalt  }
tec
execute0_lowered:
.L_overlay_start_1:
0x0: {  	(tag) =	ssettag $0x1  }
0x1: {  	s0 =	srdreg.scid  }
0x2: {  	s1 =	sshll.u32 s0, $0x4  }
0x3: {  	s4 =	rddreg [dreg:$0x0];
	s0 =	stileid.u32;
	s1 =	sand.u32 $0x10, s1  }
0x4: {  	s2 =	rddreg [dreg:$0x1];
	s7 =	simm.s32 $0x1;
	s1 =	sor.u32 s0, s1  }
0x5: {  	s8 =	simm.s32 $0x2;
	s11 =	simm.s32 $0x0;
	s3 =	sshll.u32 s1, $0x7  }
0x6: {  	s10 =	simm.s32 $0x0;
	s4 =	sadd.s32 $0x800, s4;
	s6 =	ssub.s32 $0xC8000, s3  }
.Ltmp0:
0x7: {  	s1 =	rddreg [dreg:$0x2];
	s5 =	sand.u32 $0xF80, s6;
	(pc) =	sbr.rel .LBB1_1-.Ltmp0, $4  }
0x8: {  	_ =	strace $0x8000004A;
	s9 =	smov.u32 s3;
	p0 =	sne.s32 s5, $0x0  }
0x9: {  	s6 =	sshrl.u32 s6, $0xC;
	s5 =	simm.s32 $0x1;
	s7 =	simm.s32 @!p0 $0x0  }
0xa: {  	[sflag:s5] =	ssyncpa.u1 $0x0;
	p0 =	por $0x0, $0x0;
	s6 =	sadd.s32 s7, s6  }
0xb: {  	[sflag:s8] =	ssyncpa.u1 $0x0;
	s8 =	simm.s32 $0x640000;
	s7 =	sadd.s32 $0x1, s6  }
.LBB1_4:
0xc: {  	s14 =	sshll.u32 s11, $0x3  }
0xd: {  	s30 =	sand.u32 $0x7F, s11;
	s15 =	sand.u32 $0xFFFFFC00, s14  }
0xe: {  	s11 =	sor.u32 s30, s15  }
0xf: {  	s15 =	smulhi.u32 $0x51EB851F, s11  }
0x10: {  	s14 =	smulhi.u32 $0x51EB851F, s14  }
0x11: {  	s15 =	sshrl.u32 s15, $0x12  }
0x12: {  	s14 =	sshrl.u32 s14, $0x12;
	s15 =	smul.u32 $0xC8000, s15  }
0x13: {  	s14 =	sand.u32 $0x3F, s14  }
0x14: {  	s14 =	smul.u32 $0x19000, s14;
	s11 =	ssub.s32 s11, s15  }
0x15: {  	[tilespmem:s13+$0x810 ss:$0x81] =	vst.msk $0xffff, v2;
	s15 =	sand.u32 $0x7, s11  }
0x16: {  	[tilespmem:s13+$0x1020 ss:$0x81] =	vst.msk $0xffff, v0;
	s14 =	sadd.s32 s2, s14;
	s11 =	sshrl.u32 s11, $0x3;
	s15 =	sshll.u32 s15, $0x12  }
0x17: {  	[tilespmem:s13+$0x0 ss:$0x81] =	vst.msk $0xffff, v1;
	s11 =	sadd.s32 s11, s14;
	s31 =	sor.u32 $0x400, s15  }
0x18: {  	[hbm4b:s11+s31] =	stream.strided.scatter [tilespmem:s12], [sflag:$0x2], $0x2000, s8, s31, $0x20;
	[tilespmem:$0x8080] =	vst v63  }
.LBB1_5:
0x19: {  	s13 =	sadd.s32 $0x1000, s9  }
0x1a: {  	p2 =	sgt.s32 s13, $0xC7FFF  }
0x1b: {  	s13 =	smov.u32 @p2 s3;
	p2 =	sne.s32 s10, s7  }
.Ltmp1:
0x1c: {  	p1 =	slt.u32 s10, $0x2;
	(pc) =	sbr.rel @!p2 .LBB1_6-.Ltmp1, $4  }
0x1d: {  	s12 =	simm.s32 @!p1 $0x2  }
0x1e: {  	s14 =	sadd.s32 $0x1, s10;
	_ =	swait.ge @!p1 [sflag:s12], $0x2000  }
0x1f: {  	s11 =	smov.u32 s9;
	p0 =	por !p0, !p0;
	[sflag:s12] =	ssyncset.done @!p1 $0x0  }
0x20: {  	s10 =	smov.u32 s14;
	s9 =	smov.u32 s13;
	[sflag:s12] =	ssyncadd.s32 @!p1 $0xFFFFE000  }
.LBB1_1:
0x21: {  	p1 =	sge.u32 s10, s6  }
0x22: {  	s12 =	sand.u32 @!p1 $0x1FFFFFF, s9  }
0x23: {  	s13 =	smulhi.u32 @!p1 $0x147AE15, s12;
	_ =	sdelay $0x1  }
0x24: {  	s13 =	sshrl.u32 @!p1 s13, $0xC  }
0x25: {  	s13 =	smul.u32 @!p1 $0xC8000, s13;
	_ =	sdelay $0x1  }
0x26: {  	s31 =	sadd.s32 $0xFFFFFFFF, s10;
	s14 =	sxor.u32 @!p1 $0xFFFFFFFF, s10;
	s12 =	ssub.s32 @!p1 s12, s13  }
0x27: {  	s15 =	simm.s32 @!p1 $0x80;
	s14 =	sshll.u32 @!p1 s14, $0xD;
	s12 =	sshll.u32 @!p1 s12, $0x4  }
0x28: {  	s13 =	sand.u32 @!p1 $0x2000, s14;
	s14 =	simm.s32 @!p1 $0x40;
	s12 =	sadd.s32 @!p1 s4, s12  }
0x29: {  	[tilespmem:s13], [sflag:$0x1] =	stream.strided.gather @!p1 [hbm4b:s12+s14], $0x2000, s15, s14, $0x38;
	[tilespmem:$0x8080] =	vst v63  }
0x2a: {  	p1 =	sge.u32 s31, s6  }
.Ltmp2:
0x2b: {  	_ = 	snop;
	(pc) =	sbr.rel @p1 .LBB1_5-.Ltmp2, $1  }
0x2c: {  	_ =	sdelay $0x3  }
0x2d: {  	s12 =	simm.s32 $0x1  }
0x2e: {  	_ =	swait.ge [sflag:s5], $0x2000;
	s12 =	simm.s32 @!p0 $0x0  }
0x2f: {  	[sflag:s5] =	ssyncset.done $0x0;
	s13 =	sshll.u32 s12, $0xD  }
0x30: {  	[sflag:s5] =	ssyncadd.s32 $0xFFFFE000;
	s16 =	sor.u32 $0x20, s13  }
0x31: {  	s12 =	smul.u32 $0x8100, s12;
	v3 =	vld [tilespmem:s16+$0x10]  }
0x32: {  	s30 =	sand.u32 $0x1, s10;
	v2 =	vld [tilespmem:s16+$0xFFFFFFF0]  }
0x33: {  	s13 =	smul.u32 $0x8100, s30;
	s12 =	sshrl.u32 s12, $0x2;
	v0 =	vld [tilespmem:s16+$0x0]  }
0x34: {  	v1 =	vld [tilespmem:s16+$0xFFFFFFE0];
	s14 =	sor.u32 $0x4000, s12  }
0x35: {  	s31 =	sshrl.u32 s13, $0x2;
	s13 =	sadd.s32 $0x0, s14  }
0x36: {  	s15 =	simm.s32 $0x4;
	s16 =	sadd.s32 $0x40, s16;
	s12 =	sor.u32 $0x4000, s31;
	[tilespmem:s13+$0x1830 ss:$0x81] =	vst.msk $0xffff, v3  }
.LBB1_3:
0x37: {  	v3 =	vld [tilespmem:s16+$0x10];
	p1 =	sne.s32 s15, $0x1FC;
	[tilespmem:s13+$0x810 ss:$0x81] =	vst.msk $0xffff, v2;
	s17 =	smov.u32 s15;
	s15 =	sadd.s32 $0x4, s15  }
.Ltmp3:
0x38: {  	v2 =	vld [tilespmem:s16+$0xFFFFFFF0];
	[tilespmem:s13+$0x1020 ss:$0x81] =	vst.msk $0xffff, v0;
	(pc) =	sbr.rel @p1 .LBB1_3-.Ltmp3, $4  }
0x39: {  	v0 =	vld [tilespmem:s16+$0x0];
	[tilespmem:s13+$0x0 ss:$0x81] =	vst.msk $0xffff, v1  }
0x3a: {  	s13 =	sshra.s32 s17, $0x2;
	v1 =	vld [tilespmem:s16+$0xFFFFFFE0]  }
0x3b: {  	s13 =	sadd.s32 s13, s14  }
0x3c: {  	s16 =	sadd.s32 $0x40, s16;
	[tilespmem:s13+$0x1830 ss:$0x81] =	vst.msk $0xffff, v3  }
.Ltmp4:
0x3d: {  	_ = 	snop;
	(pc) =	sbr.rel .LBB1_4-.Ltmp4, $1  }
0x3e: {  	_ =	sdelay $0x3  }
.LBB1_6:
0x3f: {  	_ =	sfence.sel $0x180000  }
0x40: {  	s2 =	simm.s32 $0x1;
	[bflag:$0x0] =	sbarrier.arrive $0xFFFF  }
0x41: {  	s31 =	simm.s32 $0x2;
	[sflag:s2] =	ssyncpa.u1 $0x1  }
0x42: {  	[sflag:s31] =	ssyncpa.u1 $0x1  }
0x43: {  	p0 =	sne.s32 s0, $0x0;
	_ =	strace $0x9000004A  }
0x44: {  	s0 =	sadd.s32 @!p0 $0x100000, s1;
	[bflag:$0x2] =	sbarrier.arrive $0xFFFF  }
0x45: {  	[sflag:s0] =	ssyncadd.tile.s32 @!p0 $0x1;
	_ =	shalt  }
.Lfunc_end1:
_tile_overlayer_lowered:
.L_overlay_start_2:
0x46: {  	(tag) =	ssettag $0x2  }
0x47: {  	s0 =	rddreg [dreg:$0x0];
	s2 =	stileid.u32  }
0x48: {  	s1 =	rddreg [dreg:$0x1];
	p0 =	sne.s32 s2, $0x0  }
0x49: {  	s3 =	rddreg [dreg:$0x2];
	[bflag:$0x3] =	sbarrier.arrive $0xFFFF;
	s2 =	simm.s32 @!p0 $0x1C01  }
0x4a: {  	[timem:s3], [sflag:s2] =	dma.local @!p0 [hbm:s0], s1  }
0x4b: {  	s0 =	simm.s32 @!p0 $0x1  }
0x4c: {  	_ =	swait.ge @!p0 [sflag:s0], s1  }
0x4d: {  	s1 =	ssub.s32 @!p0 $0x0, s1;
	[sflag:s0] =	ssyncset.done @!p0 $0x0  }
0x4e: {  	[sflag:s0] =	ssyncadd.s32 @!p0 s1  }
0x4f: {  	[bflag:$0x3] =	sbarrier.arrive $0xFFFF  }
0x50: {  	_ =	shalt  }

</sc_bundles>
